<compile_context>
chip_gen: v7x
topology: tpu7x:2x2x1
jax: 0.10.2.dev20260603
libtpu: 0.0.44.dev20260713+nightly
codegen_flags: <defaults>
</compile_context>

<pallas_src>
import functools

import jax
import jax.numpy as jnp
from jax import lax
from jax.experimental import pallas as pl
from jax.experimental.pallas import tpu as pltpu
from jax.experimental.pallas import tpu_sc as plsc

N = 10000
E = 320000
F = 128
C = 64

NC = 2
NS = 16
NW = NC * NS
CHUNK = 512
NCHUNKS = E // CHUNK
CH_BASE = NCHUNKS // NW
CH_EXTRA = NCHUNKS % NW
N_PAD = 10240
ROWS_PER_TILE = N_PAD // NS
INIT_SLICES = []
_off = 0
while _off < ROWS_PER_TILE:
    _sz = min(CHUNK, ROWS_PER_TILE - _off)
    INIT_SLICES.append((_off, _sz))
    _off += _sz
ZCHUNK = 128


def _sc_mesh():
    return plsc.VectorSubcoreMesh(core_axis_name="c", subcore_axis_name="s")


_SC_PARAMS = pltpu.CompilerParams(use_tc_tiling_on_sc=False)


def _chunk_range(wid):
    start = CH_BASE * wid + lax.min(wid, CH_EXTRA)
    return start


def _sc_degree(dst2):

    @functools.partial(
        pl.kernel,
        out_type=jax.ShapeDtypeStruct((NC, N_PAD), jnp.float32),
        mesh=_sc_mesh(),
        compiler_params=_SC_PARAMS,
        scratch_types=[
            pltpu.VMEM((CH_BASE + 1, CHUNK), jnp.int32),
            pltpu.VMEM((CHUNK,), jnp.float32),
            pltpu.VMEM((ROWS_PER_TILE,), jnp.float32),
            pltpu.VMEM_SHARED((N_PAD,), jnp.float32),
        ],
    )
    def deg_kernel(ei_hbm, out_hbm, dst_v, ones_v, buf_v, deg_sh):
        cid = lax.axis_index("c")
        sid = lax.axis_index("s")
        wid = cid * NS + sid
        start = _chunk_range(wid)

        def fill(i, _):
            buf_v[pl.ds(i * 16, 16)] = jnp.zeros((16,), jnp.float32)
            return 0

        lax.fori_loop(0, ROWS_PER_TILE // 16, fill, 0)

        def fill1(i, _):
            ones_v[pl.ds(i * 16, 16)] = jnp.ones((16,), jnp.float32)
            return 0

        lax.fori_loop(0, CHUNK // 16, fill1, 0)

        tile_rows = pl.ds(sid * ROWS_PER_TILE, ROWS_PER_TILE)
        pltpu.sync_copy(buf_v, deg_sh.at[tile_rows])
        pltpu.sync_copy(ei_hbm.at[pl.ds(start, CH_BASE)],
                        dst_v.at[pl.ds(0, CH_BASE)])

        @pl.when(wid < CH_EXTRA)
        def _():
            pltpu.sync_copy(ei_hbm.at[pl.ds(start + CH_BASE, 1)],
                            dst_v.at[pl.ds(CH_BASE, 1)])

        plsc.subcore_barrier()

        def body(j, _):
            pltpu.sync_copy(ones_v, deg_sh.at[dst_v.at[j]], add=True)
            return 0

        lax.fori_loop(0, CH_BASE, body, 0)

        @pl.when(wid < CH_EXTRA)
        def _():
            pltpu.sync_copy(ones_v, deg_sh.at[dst_v.at[CH_BASE]], add=True)

        plsc.subcore_barrier()
        pltpu.sync_copy(deg_sh.at[tile_rows], buf_v)
        pltpu.sync_copy(buf_v, out_hbm.at[cid, tile_rows])

    return deg_kernel(dst2)


def _sc_aggregate(y_ext, src2, dst2):

    @functools.partial(
        pl.kernel,
        out_type=jax.ShapeDtypeStruct((NC, N_PAD, C), jnp.float32),
        mesh=_sc_mesh(),
        compiler_params=_SC_PARAMS,
        scratch_types=[
            pltpu.VMEM((CH_BASE + 1, CHUNK), jnp.int32),
            pltpu.VMEM((CH_BASE + 1, CHUNK), jnp.int32),
            pltpu.VMEM((CHUNK, C), jnp.float32),
            pltpu.VMEM((CHUNK, C), jnp.float32),
            pltpu.VMEM_SHARED((N_PAD, C), jnp.float32),
            pltpu.SemaphoreType.DMA,
            pltpu.SemaphoreType.DMA,
        ],
    )
    def agg_kernel(y_hbm, src_hbm, dst_hbm, out_hbm, src_v, dst_v, rows_a,
                   rows_b, agg_sh, semg_a, semg_b):
        cid = lax.axis_index("c")
        sid = lax.axis_index("s")
        wid = cid * NS + sid
        start = _chunk_range(wid)

        def zero_row(i, _):
            for k in range(C // 16):
                rows_b[i, pl.ds(k * 16, 16)] = jnp.zeros((16,), jnp.float32)
            return 0

        lax.fori_loop(0, CHUNK, zero_row, 0)

        for off, sz in INIT_SLICES:
            sl = pl.ds(sid * ROWS_PER_TILE + off, sz)

            @pl.when(cid == 0)
            def _():
                pltpu.sync_copy(y_hbm.at[sl], rows_a.at[pl.ds(0, sz)])
                pltpu.sync_copy(rows_a.at[pl.ds(0, sz)], agg_sh.at[sl])

            @pl.when(cid != 0)
            def _():
                pltpu.sync_copy(rows_b.at[pl.ds(0, sz)], agg_sh.at[sl])

        pltpu.sync_copy(src_hbm.at[pl.ds(start, CH_BASE)],
                        src_v.at[pl.ds(0, CH_BASE)])
        pltpu.sync_copy(dst_hbm.at[pl.ds(start, CH_BASE)],
                        dst_v.at[pl.ds(0, CH_BASE)])

        @pl.when(wid < CH_EXTRA)
        def _():
            pltpu.sync_copy(src_hbm.at[pl.ds(start + CH_BASE, 1)],
                            src_v.at[pl.ds(CH_BASE, 1)])
            pltpu.sync_copy(dst_hbm.at[pl.ds(start + CH_BASE, 1)],
                            dst_v.at[pl.ds(CH_BASE, 1)])

        plsc.subcore_barrier()

        def gath(j, buf, sem):
            return pltpu.async_copy(y_hbm.at[src_v.at[j]], buf, sem)

        def gath_wait(j, buf, sem):
            pltpu.make_async_copy(y_hbm.at[src_v.at[j]], buf, sem).wait()

        gath(0, rows_a, semg_a)
        gath(1, rows_b, semg_b)

        def body(jj, _):
            j = jj * 2
            gath_wait(j, rows_a, semg_a)
            pltpu.sync_copy(rows_a, agg_sh.at[dst_v.at[j]], add=True)
            gath(j + 2, rows_a, semg_a)
            gath_wait(j + 1, rows_b, semg_b)
            pltpu.sync_copy(rows_b, agg_sh.at[dst_v.at[j + 1]], add=True)
            gath(j + 3, rows_b, semg_b)
            return 0

        PAIRS = (CH_BASE - 2) // 2
        lax.fori_loop(0, PAIRS, body, 0)
        ja = 2 * PAIRS
        gath_wait(ja, rows_a, semg_a)
        pltpu.sync_copy(rows_a, agg_sh.at[dst_v.at[ja]], add=True)
        gath_wait(ja + 1, rows_b, semg_b)
        pltpu.sync_copy(rows_b, agg_sh.at[dst_v.at[ja + 1]], add=True)
        for t in range(2 * PAIRS + 2, CH_BASE):
            pltpu.sync_copy(y_hbm.at[src_v.at[t]], rows_a)
            pltpu.sync_copy(rows_a, agg_sh.at[dst_v.at[t]], add=True)

        @pl.when(wid < CH_EXTRA)
        def _():
            pltpu.sync_copy(y_hbm.at[src_v.at[CH_BASE]], rows_b)
            pltpu.sync_copy(rows_b, agg_sh.at[dst_v.at[CH_BASE]], add=True)

        plsc.subcore_barrier()

        for off, sz in INIT_SLICES:
            sl = pl.ds(sid * ROWS_PER_TILE + off, sz)
            pltpu.sync_copy(agg_sh.at[sl], rows_a.at[pl.ds(0, sz)])
            pltpu.sync_copy(rows_a.at[pl.ds(0, sz)], out_hbm.at[cid, sl])

    return agg_kernel(y_ext, src2, dst2)


def _tc_scale(x, W, deg_col):
    BLK = 2000

    def body(x_ref, w_ref, d_ref, y_ref):
        dinv = lax.rsqrt(d_ref[...])
        xw = jnp.dot(x_ref[...], w_ref[...], preferred_element_type=jnp.float32)
        y_ref[...] = xw * dinv

    return pl.pallas_call(
        body,
        grid=(N // BLK,),
        in_specs=[
            pl.BlockSpec((BLK, F), lambda i: (i, 0)),
            pl.BlockSpec((F, C), lambda i: (0, 0)),
            pl.BlockSpec((BLK, 1), lambda i: (i, 0)),
        ],
        out_specs=pl.BlockSpec((BLK, C), lambda i: (i, 0)),
        out_shape=jax.ShapeDtypeStruct((N_PAD, C), jnp.float32),
    )(x, W, deg_col)


def _tc_final(agg128, deg2, b128):
    BLK2 = 1000
    BLK = 2 * BLK2

    def body(a_ref, d_ref, b_ref, o_ref):
        a = a_ref[0] + a_ref[1]
        d2 = d_ref[...]
        dinv = lax.rsqrt(d2)
        dinv128 = jnp.concatenate(
            [jnp.broadcast_to(dinv[:, 0:1], (BLK2, C)),
             jnp.broadcast_to(dinv[:, 1:2], (BLK2, C))], axis=1)
        o = a * dinv128 + b_ref[...]
        left = o[:, :C]
        right = o[:, C:]

        def lsm(v):
            m = jnp.max(v, axis=1, keepdims=True)
            ex = jnp.exp(v - m)
            return (v - m) - jnp.log(jnp.sum(ex, axis=1, keepdims=True))

        o_ref[...] = jnp.concatenate([lsm(left), lsm(right)], axis=1)

    out128 = pl.pallas_call(
        body,
        grid=(N // BLK,),
        in_specs=[
            pl.BlockSpec((NC, BLK2, 2 * C), lambda i: (0, i, 0)),
            pl.BlockSpec((BLK2, 2), lambda i: (i, 0)),
            pl.BlockSpec((1, 2 * C), lambda i: (0, 0)),
        ],
        out_specs=pl.BlockSpec((BLK2, 2 * C), lambda i: (i, 0)),
        out_shape=jax.ShapeDtypeStruct((N // 2, 2 * C), jnp.float32),
    )(agg128, deg2, b128)
    return out128.reshape(N, C)


def kernel(x, edge_index, W, b):
    ei = edge_index.astype(jnp.int32)
    src2 = ei[0].reshape(NCHUNKS, CHUNK)
    dst2 = ei[1].reshape(NCHUNKS, CHUNK)
    src2, dst2 = lax.optimization_barrier((src2, dst2))
    degp = _sc_degree(dst2)
    degsum = degp[0] + degp[1] + 1.0
    deg_col = degsum[:N].reshape(N, 1)
    y_ext = _tc_scale(x, W, deg_col)
    aggp = _sc_aggregate(y_ext, src2, dst2)
    agg128 = aggp.reshape(NC, N_PAD // 2, 2 * C)
    deg2 = degsum.reshape(N_PAD // 2, 2)
    b128 = jnp.concatenate([b, b]).reshape(1, 2 * C)
    return _tc_final(agg128, deg2, b128)

# --- scband reference (transcript-rebuilt; emitter-appended) ---
"""Pipeline reference for scband-gcn1-27032524161268 (READ-ONLY COPY).

The authoritative reference and input builder live on the scoring server;
editing this copy changes nothing except your own understanding.
"""

import jax, jax.numpy as jnp
import numpy as np

N_NODES = 10000
N_EDGES = 320000
NFEAT = 128
NCLASS = 64

def setup_inputs(seed: int = 0) -> dict:
    key = jax.random.key(seed)
    k1, k2, k3, k4 = jax.random.split(key, 4)
    x = jax.random.normal(k1, (N_NODES, NFEAT), dtype=jnp.float32)
    edge_index = jax.random.randint(k2, (2, N_EDGES), 0, N_NODES, dtype=jnp.int64)
    # GCNConv learned params: weight [nfeat, nclass] (glorot), bias [nclass] (zeros-init, use small randn for generality)
    W = jax.random.normal(k3, (NFEAT, NCLASS), dtype=jnp.float32) * (1.0 / np.sqrt(NFEAT))
    b = jax.random.normal(k4, (NCLASS,), dtype=jnp.float32) * 0.01
    return {"x": x, "edge_index": edge_index, "W": W, "b": b}

def reference(x, edge_index, W, b):
    # Faithful PyG GCNConv: add self-loops, symmetric normalization, linear transform,
    # scatter-add aggregation src->dst, bias; then log_softmax (GCN1.forward).
    N = x.shape[0]
    src = edge_index[0]
    dst = edge_index[1]
    loop = jnp.arange(N, dtype=src.dtype)
    src = jnp.concatenate([src, loop])
    dst = jnp.concatenate([dst, loop])
    ew = jnp.ones(src.shape[0], dtype=x.dtype)
    deg = jnp.zeros((N,), dtype=x.dtype).at[dst].add(ew)
    deg_inv_sqrt = jnp.where(deg > 0, deg ** -0.5, 0.0)
    norm = deg_inv_sqrt[src] * ew * deg_inv_sqrt[dst]
    xw = x @ W
    msg = norm[:, None] * jnp.take(xw, src, axis=0)
    out = jnp.zeros((N, xw.shape[1]), dtype=x.dtype).at[dst].add(msg)
    out = out + b
    return jax.nn.log_softmax(out, axis=1)

if __name__ == "__main__":
    import jax
    _d = setup_inputs()
    print(jax.jit(kernel)(*tuple(_d.values())))

</pallas_src>

<mosaic_0001>
#map = affine_map<(d0, d1) -> (0, 0)>
module attributes {stable_mosaic.version = 14 : i64} {
  func.func @deg_kernel(%arg0: i32, %arg1: i32, %arg2: memref<625x512xi32, #tpu.memory_space<hbm>>, %arg3: memref<2x10240xf32, #tpu.memory_space<hbm>>, %arg4: memref<20x512xi32, #tpu.memory_space<vmem>>, %arg5: memref<512xf32, #tpu.memory_space<vmem>>, %arg6: memref<640xf32, #tpu.memory_space<vmem>>, %arg7: memref<10240xf32, #tpu.memory_space<vmem_shared>>) attributes {dimension_semantics = [#tpu.dimension_semantics<core_parallel>, #tpu.dimension_semantics<subcore_parallel>], iteration_bounds = array<i64: 2, 16>, scalar_prefetch = 0 : i64, scratch_operands = 4 : i64, tpu.core_type = #tpu.core_type<sc_vector_subcore>, window_params = [{transform_indices = #map}, {transform_indices = #map}]} {
    %mul3A = arith.constant 16 : i32
    %mul3A_0 = arith.muli %arg0, %mul3A : i32
    %add3A = arith.addi %mul3A_0, %arg1 : i32
    %mul3A_1 = arith.constant 19 : i32
    %mul3A_2 = arith.muli %mul3A_1, %add3A : i32
    %min3A = arith.constant 17 : i32
    %min3A_3 = arith.minsi %add3A, %min3A : i32
    %add3A_4 = arith.addi %mul3A_2, %min3A_3 : i32
    %scan3A = arith.constant 0 : i32
    %scan3A_5 = arith.constant 0 : i32
    %scan3A_6 = arith.constant 40 : i32
    %scan3A_7 = arith.addi %scan3A_5, %scan3A_6 : i32
    %scan3A_8 = arith.constant 1 : i32
    %scan3A_9 = scf.for %scan3A_35 = %scan3A_5 to %scan3A_7 step %scan3A_8 iter_args(%scan3A_36 = %scan3A) -> (i32)  : i32 {
      %broadcast_in_dim3A = arith.constant 0.000000e+00 : f32
      %broadcast_in_dim3A_37 = vector.broadcast %broadcast_in_dim3A : f32 to vector<16xf32>
      %mul3A_38 = arith.constant 16 : i32
      %mul3A_39 = arith.muli %scan3A_35, %mul3A_38 : i32
      %swap3A = arith.index_cast %mul3A_39 : i32 to index
      %swap3A_40 = tpu.vector_load %arg6[%swap3A] {strides = array<i32>} : memref<640xf32, #tpu.memory_space<vmem>>, vector<16xf32>,
      %swap3A_41 = vector.shape_cast %swap3A_40 : vector<16xf32> to vector<16xf32>
      %swap3A_42 = vector.shape_cast %broadcast_in_dim3A_37 : vector<16xf32> to vector<16xf32>
      tpu.vector_store %arg6[%swap3A], %swap3A_42 {strides = array<i32>} : memref<640xf32, #tpu.memory_space<vmem>>, vector<16xf32>,
      %scan3A_43 = arith.constant 0 : i32
      scf.yield %scan3A_43 : i32
    }
    %scan3A_10 = arith.constant 40 : i32
    %scan3A_11 = arith.constant 0 : i32
    %scan3A_12 = arith.constant 0 : i32
    %scan3A_13 = arith.constant 32 : i32
    %scan3A_14 = arith.addi %scan3A_12, %scan3A_13 : i32
    %scan3A_15 = arith.constant 1 : i32
    %scan3A_16 = scf.for %scan3A_35 = %scan3A_12 to %scan3A_14 step %scan3A_15 iter_args(%scan3A_36 = %scan3A_11) -> (i32)  : i32 {
      %broadcast_in_dim3A = arith.constant 1.000000e+00 : f32
      %broadcast_in_dim3A_37 = vector.broadcast %broadcast_in_dim3A : f32 to vector<16xf32>
      %mul3A_38 = arith.constant 16 : i32
      %mul3A_39 = arith.muli %scan3A_35, %mul3A_38 : i32
      %swap3A = arith.index_cast %mul3A_39 : i32 to index
      %swap3A_40 = tpu.vector_load %arg5[%swap3A] {strides = array<i32>} : memref<512xf32, #tpu.memory_space<vmem>>, vector<16xf32>,
      %swap3A_41 = vector.shape_cast %swap3A_40 : vector<16xf32> to vector<16xf32>
      %swap3A_42 = vector.shape_cast %broadcast_in_dim3A_37 : vector<16xf32> to vector<16xf32>
      tpu.vector_store %arg5[%swap3A], %swap3A_42 {strides = array<i32>} : memref<512xf32, #tpu.memory_space<vmem>>, vector<16xf32>,
      %scan3A_43 = arith.constant 0 : i32
      scf.yield %scan3A_43 : i32
    }
    %scan3A_17 = arith.constant 32 : i32
    %mul3A_18 = arith.constant 640 : i32
    %mul3A_19 = arith.muli %arg1, %mul3A_18 : i32
    "tpu.region"() ({
      %run_scoped3A = tpu.sem_alloc : memref<!tpu.dma_semaphore, #tpu.memory_space<semaphore_mem>>
      %dma_start3A = tpu.memref_slice %arg7[%mul3A_19] : memref<10240xf32, #tpu.memory_space<vmem_shared>> -> memref<640xf32, #tpu.memory_space<vmem_shared>>
      %dma_start3A_35 = tpu.memref_slice %arg7[%mul3A_19] : memref<10240xf32, #tpu.memory_space<vmem_shared>> -> memref<640xf32, #tpu.memory_space<vmem_shared>>
      tpu.enqueue_dma source(%arg6 : memref<640xf32, #tpu.memory_space<vmem>>) target(%dma_start3A_35 : memref<640xf32, #tpu.memory_space<vmem_shared>>) target_semaphore(%run_scoped3A : memref<!tpu.dma_semaphore, #tpu.memory_space<semaphore_mem>>)
      %dma_wait3A = tpu.memref_slice %arg7[%mul3A_19] : memref<10240xf32, #tpu.memory_space<vmem_shared>> -> memref<640xf32, #tpu.memory_space<vmem_shared>>
      %dma_wait3A_36 = tpu.memref_slice %arg7[%mul3A_19] : memref<10240xf32, #tpu.memory_space<vmem_shared>> -> memref<640xf32, #tpu.memory_space<vmem_shared>>
      tpu.wait_dma2 semaphore(%run_scoped3A : memref<!tpu.dma_semaphore, #tpu.memory_space<semaphore_mem>>) src(%arg6 : memref<640xf32, #tpu.memory_space<vmem>>) dst(%dma_wait3A_36 : memref<640xf32, #tpu.memory_space<vmem_shared>>)
      tpu.yield
    }) : () -> ()
    "tpu.region"() ({
      %run_scoped3A = tpu.sem_alloc : memref<!tpu.dma_semaphore, #tpu.memory_space<semaphore_mem>>
      %dma_start3A = arith.constant 0 : i32
      %dma_start3A_35 = arith.constant 0 : i32
      %dma_start3A_36 = tpu.memref_slice %arg4[%dma_start3A, %dma_start3A_35] : memref<20x512xi32, #tpu.memory_space<vmem>> -> memref<19x512xi32, #tpu.memory_space<vmem>>
      %dma_start3A_37 = arith.constant 0 : i32
      %dma_start3A_38 = tpu.memref_slice %arg2[%add3A_4, %dma_start3A_37] : memref<625x512xi32, #tpu.memory_space<hbm>> -> memref<19x512xi32, #tpu.memory_space<hbm>>
      %dma_start3A_39 = arith.constant 0 : i32
      %dma_start3A_40 = arith.constant 0 : i32
      %dma_start3A_41 = tpu.memref_slice %arg4[%dma_start3A_39, %dma_start3A_40] : memref<20x512xi32, #tpu.memory_space<vmem>> -> memref<19x512xi32, #tpu.memory_space<vmem>>
      %dma_start3A_42 = arith.constant 0 : i32
      %dma_start3A_43 = tpu.memref_slice %arg2[%add3A_4, %dma_start3A_42] : memref<625x512xi32, #tpu.memory_space<hbm>> -> memref<19x512xi32, #tpu.memory_space<hbm>>
      tpu.enqueue_dma source(%dma_start3A_43 : memref<19x512xi32, #tpu.memory_space<hbm>>) target(%dma_start3A_41 : memref<19x512xi32, #tpu.memory_space<vmem>>) target_semaphore(%run_scoped3A : memref<!tpu.dma_semaphore, #tpu.memory_space<semaphore_mem>>)
      %dma_wait3A = arith.constant 0 : i32
      %dma_wait3A_44 = arith.constant 0 : i32
      %dma_wait3A_45 = tpu.memref_slice %arg4[%dma_wait3A, %dma_wait3A_44] : memref<20x512xi32, #tpu.memory_space<vmem>> -> memref<19x512xi32, #tpu.memory_space<vmem>>
      %dma_wait3A_46 = arith.constant 0 : i32
      %dma_wait3A_47 = tpu.memref_slice %arg2[%add3A_4, %dma_wait3A_46] : memref<625x512xi32, #tpu.memory_space<hbm>> -> memref<19x512xi32, #tpu.memory_space<hbm>>
      %dma_wait3A_48 = arith.constant 0 : i32
      %dma_wait3A_49 = arith.constant 0 : i32
      %dma_wait3A_50 = tpu.memref_slice %arg4[%dma_wait3A_48, %dma_wait3A_49] : memref<20x512xi32, #tpu.memory_space<vmem>> -> memref<19x512xi32, #tpu.memory_space<vmem>>
      %dma_wait3A_51 = arith.constant 0 : i32
      %dma_wait3A_52 = tpu.memref_slice %arg2[%add3A_4, %dma_wait3A_51] : memref<625x512xi32, #tpu.memory_space<hbm>> -> memref<19x512xi32, #tpu.memory_space<hbm>>
      tpu.wait_dma2 semaphore(%run_scoped3A : memref<!tpu.dma_semaphore, #tpu.memory_space<semaphore_mem>>) src(%dma_wait3A_52 : memref<19x512xi32, #tpu.memory_space<hbm>>) dst(%dma_wait3A_50 : memref<19x512xi32, #tpu.memory_space<vmem>>)
      tpu.yield
    }) : () -> ()
    %lt3A = arith.constant 17 : i32
    %lt3A_20 = arith.cmpi slt, %add3A, %lt3A : i32
    %convert_element_type3A = arith.extui %lt3A_20 : i1 to i32
    %cond3A = arith.constant 0 : i32
    %cond3A_21 = arith.cmpi ne, %convert_element_type3A, %cond3A : i32
    scf.if %cond3A_21 {
      %add3A_35 = arith.constant 19 : i32
      %add3A_36 = arith.addi %add3A_4, %add3A_35 : i32
      "tpu.region"() ({
        %run_scoped3A = tpu.sem_alloc : memref<!tpu.dma_semaphore, #tpu.memory_space<semaphore_mem>>
        %dma_start3A = arith.constant 19 : i32
        %dma_start3A_37 = arith.constant 0 : i32
        %dma_start3A_38 = tpu.memref_slice %arg4[%dma_start3A, %dma_start3A_37] : memref<20x512xi32, #tpu.memory_space<vmem>> -> memref<1x512xi32, #tpu.memory_space<vmem>>
        %dma_start3A_39 = arith.constant 0 : i32
        %dma_start3A_40 = tpu.memref_slice %arg2[%add3A_36, %dma_start3A_39] : memref<625x512xi32, #tpu.memory_space<hbm>> -> memref<1x512xi32, #tpu.memory_space<hbm>>
        %dma_start3A_41 = arith.constant 19 : i32
        %dma_start3A_42 = arith.constant 0 : i32
        %dma_start3A_43 = tpu.memref_slice %arg4[%dma_start3A_41, %dma_start3A_42] : memref<20x512xi32, #tpu.memory_space<vmem>> -> memref<1x512xi32, #tpu.memory_space<vmem>>
        %dma_start3A_44 = arith.constant 0 : i32
        %dma_start3A_45 = tpu.memref_slice %arg2[%add3A_36, %dma_start3A_44] : memref<625x512xi32, #tpu.memory_space<hbm>> -> memref<1x512xi32, #tpu.memory_space<hbm>>
        tpu.enqueue_dma source(%dma_start3A_45 : memref<1x512xi32, #tpu.memory_space<hbm>>) target(%dma_start3A_43 : memref<1x512xi32, #tpu.memory_space<vmem>>) target_semaphore(%run_scoped3A : memref<!tpu.dma_semaphore, #tpu.memory_space<semaphore_mem>>)
        %dma_wait3A = arith.constant 19 : i32
        %dma_wait3A_46 = arith.constant 0 : i32
        %dma_wait3A_47 = tpu.memref_slice %arg4[%dma_wait3A, %dma_wait3A_46] : memref<20x512xi32, #tpu.memory_space<vmem>> -> memref<1x512xi32, #tpu.memory_space<vmem>>
        %dma_wait3A_48 = arith.constant 0 : i32
        %dma_wait3A_49 = tpu.memref_slice %arg2[%add3A_36, %dma_wait3A_48] : memref<625x512xi32, #tpu.memory_space<hbm>> -> memref<1x512xi32, #tpu.memory_space<hbm>>
        %dma_wait3A_50 = arith.constant 19 : i32
        %dma_wait3A_51 = arith.constant 0 : i32
        %dma_wait3A_52 = tpu.memref_slice %arg4[%dma_wait3A_50, %dma_wait3A_51] : memref<20x512xi32, #tpu.memory_space<vmem>> -> memref<1x512xi32, #tpu.memory_space<vmem>>
        %dma_wait3A_53 = arith.constant 0 : i32
        %dma_wait3A_54 = tpu.memref_slice %arg2[%add3A_36, %dma_wait3A_53] : memref<625x512xi32, #tpu.memory_space<hbm>> -> memref<1x512xi32, #tpu.memory_space<hbm>>
        tpu.wait_dma2 semaphore(%run_scoped3A : memref<!tpu.dma_semaphore, #tpu.memory_space<semaphore_mem>>) src(%dma_wait3A_54 : memref<1x512xi32, #tpu.memory_space<hbm>>) dst(%dma_wait3A_52 : memref<1x512xi32, #tpu.memory_space<vmem>>)
        tpu.yield
      }) : () -> ()
    } else {
    }
    %barrier3A = arith.constant 0 : index
    tpu.barrier barrier_id(%barrier3A)
    %scan3A_22 = arith.constant 0 : i32
    %scan3A_23 = arith.constant 0 : i32
    %scan3A_24 = arith.constant 19 : i32
    %scan3A_25 = arith.addi %scan3A_23, %scan3A_24 : i32
    %scan3A_26 = arith.constant 1 : i32
    %scan3A_27 = scf.for %scan3A_35 = %scan3A_23 to %scan3A_25 step %scan3A_26 iter_args(%scan3A_36 = %scan3A_22) -> (i32)  : i32 {
      "tpu.region"() ({
        %run_scoped3A = tpu.sem_alloc : memref<!tpu.dma_semaphore, #tpu.memory_space<semaphore_mem>>
        %dma_start3A = arith.constant 0 : i32
        %dma_start3A_38 = tpu.memref_slice %arg4[%scan3A_35, %dma_start3A] : memref<20x512xi32, #tpu.memory_space<vmem>> -> memref<1x512xi32, #tpu.memory_space<vmem>>
        %dma_start3A_39 = tpu.memref_squeeze %dma_start3A_38 : memref<1x512xi32, #tpu.memory_space<vmem>> -> memref<512xi32, #tpu.memory_space<vmem>>
        %dma_start3A_40 = arith.constant 0 : i32
        %dma_start3A_41 = tpu.memref_slice %arg7[%dma_start3A_40] : memref<10240xf32, #tpu.memory_space<vmem_shared>> -> memref<10240xf32, #tpu.memory_space<vmem_shared>>
        tpu.enqueue_indirect_dma source(%arg5 : memref<512xf32, #tpu.memory_space<vmem>>) target(%dma_start3A_41 : memref<10240xf32, #tpu.memory_space<vmem_shared>>) offsets(%dma_start3A_39 : memref<512xi32, #tpu.memory_space<vmem>>) semaphore(%run_scoped3A : memref<!tpu.dma_semaphore, #tpu.memory_space<semaphore_mem>>) {add = true}
        %dma_wait3A = arith.constant 0 : i32
        %dma_wait3A_42 = tpu.memref_slice %arg4[%scan3A_35, %dma_wait3A] : memref<20x512xi32, #tpu.memory_space<vmem>> -> memref<1x512xi32, #tpu.memory_space<vmem>>
        %dma_wait3A_43 = tpu.memref_squeeze %dma_wait3A_42 : memref<1x512xi32, #tpu.memory_space<vmem>> -> memref<512xi32, #tpu.memory_space<vmem>>
        %dma_wait3A_44 = arith.constant 0 : i32
        %dma_wait3A_45 = tpu.memref_slice %arg7[%dma_wait3A_44] : memref<10240xf32, #tpu.memory_space<vmem_shared>> -> memref<10240xf32, #tpu.memory_space<vmem_shared>>
        tpu.wait_indirect_dma semaphore(%run_scoped3A : memref<!tpu.dma_semaphore, #tpu.memory_space<semaphore_mem>>) src(%arg5 : memref<512xf32, #tpu.memory_space<vmem>>) dst(%dma_wait3A_45 : memref<10240xf32, #tpu.memory_space<vmem_shared>>)
        tpu.yield
      }) : () -> ()
      %scan3A_37 = arith.constant 0 : i32
      scf.yield %scan3A_37 : i32
    }
    %scan3A_28 = arith.constant 19 : i32
    %lt3A_29 = arith.constant 17 : i32
    %lt3A_30 = arith.cmpi slt, %add3A, %lt3A_29 : i32
    %convert_element_type3A_31 = arith.extui %lt3A_30 : i1 to i32
    %cond3A_32 = arith.constant 0 : i32
    %cond3A_33 = arith.cmpi ne, %convert_element_type3A_31, %cond3A_32 : i32
    scf.if %cond3A_33 {
      %run_scoped3A = arith.constant 19 : i32
      "tpu.region"() ({
        %run_scoped3A_35 = tpu.sem_alloc : memref<!tpu.dma_semaphore, #tpu.memory_space<semaphore_mem>>
        %dma_start3A = arith.constant 0 : i32
        %dma_start3A_36 = tpu.memref_slice %arg4[%run_scoped3A, %dma_start3A] : memref<20x512xi32, #tpu.memory_space<vmem>> -> memref<1x512xi32, #tpu.memory_space<vmem>>
        %dma_start3A_37 = tpu.memref_squeeze %dma_start3A_36 : memref<1x512xi32, #tpu.memory_space<vmem>> -> memref<512xi32, #tpu.memory_space<vmem>>
        %dma_start3A_38 = arith.constant 0 : i32
        %dma_start3A_39 = tpu.memref_slice %arg7[%dma_start3A_38] : memref<10240xf32, #tpu.memory_space<vmem_shared>> -> memref<10240xf32, #tpu.memory_space<vmem_shared>>
        tpu.enqueue_indirect_dma source(%arg5 : memref<512xf32, #tpu.memory_space<vmem>>) target(%dma_start3A_39 : memref<10240xf32, #tpu.memory_space<vmem_shared>>) offsets(%dma_start3A_37 : memref<512xi32, #tpu.memory_space<vmem>>) semaphore(%run_scoped3A_35 : memref<!tpu.dma_semaphore, #tpu.memory_space<semaphore_mem>>) {add = true}
        %dma_wait3A = arith.constant 0 : i32
        %dma_wait3A_40 = tpu.memref_slice %arg4[%run_scoped3A, %dma_wait3A] : memref<20x512xi32, #tpu.memory_space<vmem>> -> memref<1x512xi32, #tpu.memory_space<vmem>>
        %dma_wait3A_41 = tpu.memref_squeeze %dma_wait3A_40 : memref<1x512xi32, #tpu.memory_space<vmem>> -> memref<512xi32, #tpu.memory_space<vmem>>
        %dma_wait3A_42 = arith.constant 0 : i32
        %dma_wait3A_43 = tpu.memref_slice %arg7[%dma_wait3A_42] : memref<10240xf32, #tpu.memory_space<vmem_shared>> -> memref<10240xf32, #tpu.memory_space<vmem_shared>>
        tpu.wait_indirect_dma semaphore(%run_scoped3A_35 : memref<!tpu.dma_semaphore, #tpu.memory_space<semaphore_mem>>) src(%arg5 : memref<512xf32, #tpu.memory_space<vmem>>) dst(%dma_wait3A_43 : memref<10240xf32, #tpu.memory_space<vmem_shared>>)
        tpu.yield
      }) : () -> ()
    } else {
    }
    %barrier3A_34 = arith.constant 0 : index
    tpu.barrier barrier_id(%barrier3A_34)
    "tpu.region"() ({
      %run_scoped3A = tpu.sem_alloc : memref<!tpu.dma_semaphore, #tpu.memory_space<semaphore_mem>>
      %dma_start3A = tpu.memref_slice %arg7[%mul3A_19] : memref<10240xf32, #tpu.memory_space<vmem_shared>> -> memref<640xf32, #tpu.memory_space<vmem_shared>>
      %dma_start3A_35 = tpu.memref_slice %arg7[%mul3A_19] : memref<10240xf32, #tpu.memory_space<vmem_shared>> -> memref<640xf32, #tpu.memory_space<vmem_shared>>
      tpu.enqueue_dma source(%dma_start3A_35 : memref<640xf32, #tpu.memory_space<vmem_shared>>) target(%arg6 : memref<640xf32, #tpu.memory_space<vmem>>) target_semaphore(%run_scoped3A : memref<!tpu.dma_semaphore, #tpu.memory_space<semaphore_mem>>)
      %dma_wait3A = tpu.memref_slice %arg7[%mul3A_19] : memref<10240xf32, #tpu.memory_space<vmem_shared>> -> memref<640xf32, #tpu.memory_space<vmem_shared>>
      %dma_wait3A_36 = tpu.memref_slice %arg7[%mul3A_19] : memref<10240xf32, #tpu.memory_space<vmem_shared>> -> memref<640xf32, #tpu.memory_space<vmem_shared>>
      tpu.wait_dma2 semaphore(%run_scoped3A : memref<!tpu.dma_semaphore, #tpu.memory_space<semaphore_mem>>) src(%dma_wait3A_36 : memref<640xf32, #tpu.memory_space<vmem_shared>>) dst(%arg6 : memref<640xf32, #tpu.memory_space<vmem>>)
      tpu.yield
    }) : () -> ()
    "tpu.region"() ({
      %run_scoped3A = tpu.sem_alloc : memref<!tpu.dma_semaphore, #tpu.memory_space<semaphore_mem>>
      %dma_start3A = tpu.memref_slice %arg3[%arg0, %mul3A_19] : memref<2x10240xf32, #tpu.memory_space<hbm>> -> memref<1x640xf32, #tpu.memory_space<hbm>>
      %dma_start3A_35 = tpu.memref_squeeze %dma_start3A : memref<1x640xf32, #tpu.memory_space<hbm>> -> memref<640xf32, #tpu.memory_space<hbm>>
      %dma_start3A_36 = tpu.memref_slice %arg3[%arg0, %mul3A_19] : memref<2x10240xf32, #tpu.memory_space<hbm>> -> memref<1x640xf32, #tpu.memory_space<hbm>>
      %dma_start3A_37 = tpu.memref_squeeze %dma_start3A_36 : memref<1x640xf32, #tpu.memory_space<hbm>> -> memref<640xf32, #tpu.memory_space<hbm>>
      tpu.enqueue_dma source(%arg6 : memref<640xf32, #tpu.memory_space<vmem>>) target(%dma_start3A_37 : memref<640xf32, #tpu.memory_space<hbm>>) target_semaphore(%run_scoped3A : memref<!tpu.dma_semaphore, #tpu.memory_space<semaphore_mem>>)
      %dma_wait3A = tpu.memref_slice %arg3[%arg0, %mul3A_19] : memref<2x10240xf32, #tpu.memory_space<hbm>> -> memref<1x640xf32, #tpu.memory_space<hbm>>
      %dma_wait3A_38 = tpu.memref_squeeze %dma_wait3A : memref<1x640xf32, #tpu.memory_space<hbm>> -> memref<640xf32, #tpu.memory_space<hbm>>
      %dma_wait3A_39 = tpu.memref_slice %arg3[%arg0, %mul3A_19] : memref<2x10240xf32, #tpu.memory_space<hbm>> -> memref<1x640xf32, #tpu.memory_space<hbm>>
      %dma_wait3A_40 = tpu.memref_squeeze %dma_wait3A_39 : memref<1x640xf32, #tpu.memory_space<hbm>> -> memref<640xf32, #tpu.memory_space<hbm>>
      tpu.wait_dma2 semaphore(%run_scoped3A : memref<!tpu.dma_semaphore, #tpu.memory_space<semaphore_mem>>) src(%arg6 : memref<640xf32, #tpu.memory_space<vmem>>) dst(%dma_wait3A_40 : memref<640xf32, #tpu.memory_space<hbm>>)
      tpu.yield
    }) : () -> ()
    return
  }
}

#map = affine_map<(d0, d1) -> (0, 0)>
#map1 = affine_map<(d0, d1) -> (0, 0, 0)>
module attributes {stable_mosaic.version = 14 : i64} {
  func.func @agg_kernel(%arg0: i32, %arg1: i32, %arg2: memref<10240x64xf32, #tpu.memory_space<hbm>>, %arg3: memref<625x512xi32, #tpu.memory_space<hbm>>, %arg4: memref<625x512xi32, #tpu.memory_space<hbm>>, %arg5: memref<2x10240x64xf32, #tpu.memory_space<hbm>>, %arg6: memref<20x512xi32, #tpu.memory_space<vmem>>, %arg7: memref<20x512xi32, #tpu.memory_space<vmem>>, %arg8: memref<512x64xf32, #tpu.memory_space<vmem>>, %arg9: memref<512x64xf32, #tpu.memory_space<vmem>>, %arg10: memref<10240x64xf32, #tpu.memory_space<vmem_shared>>, %arg11: memref<!tpu.dma_semaphore, #tpu.memory_space<semaphore_mem>>, %arg12: memref<!tpu.dma_semaphore, #tpu.memory_space<semaphore_mem>>) attributes {dimension_semantics = [#tpu.dimension_semantics<core_parallel>, #tpu.dimension_semantics<subcore_parallel>], iteration_bounds = array<i64: 2, 16>, scalar_prefetch = 0 : i64, scratch_operands = 7 : i64, tpu.core_type = #tpu.core_type<sc_vector_subcore>, window_params = [{transform_indices = #map}, {transform_indices = #map}, {transform_indices = #map}, {transform_indices = #map1}]} {
    %mul3A = arith.constant 16 : i32
    %mul3A_0 = arith.muli %arg0, %mul3A : i32
    %add3A = arith.addi %mul3A_0, %arg1 : i32
    %mul3A_1 = arith.constant 19 : i32
    %mul3A_2 = arith.muli %mul3A_1, %add3A : i32
    %min3A = arith.constant 17 : i32
    %min3A_3 = arith.minsi %add3A, %min3A : i32
    %add3A_4 = arith.addi %mul3A_2, %min3A_3 : i32
    %scan3A = arith.constant 0 : i32
    %scan3A_5 = arith.constant 0 : i32
    %scan3A_6 = arith.constant 512 : i32
    %scan3A_7 = arith.addi %scan3A_5, %scan3A_6 : i32
    %scan3A_8 = arith.constant 1 : i32
    %scan3A_9 = scf.for %scan3A_89 = %scan3A_5 to %scan3A_7 step %scan3A_8 iter_args(%scan3A_90 = %scan3A) -> (i32)  : i32 {
      %broadcast_in_dim3A = arith.constant 0.000000e+00 : f32
      %broadcast_in_dim3A_91 = vector.broadcast %broadcast_in_dim3A : f32 to vector<16xf32>
      %swap3A = arith.index_cast %scan3A_89 : i32 to index
      %swap3A_92 = arith.constant 0 : index
      %swap3A_93 = tpu.vector_load %arg9[%swap3A, %swap3A_92] {strides = array<i32>} : memref<512x64xf32, #tpu.memory_space<vmem>>, vector<1x16xf32>,
      %swap3A_94 = vector.shape_cast %swap3A_93 : vector<1x16xf32> to vector<16xf32>
      %swap3A_95 = vector.shape_cast %broadcast_in_dim3A_91 : vector<16xf32> to vector<1x16xf32>
      tpu.vector_store %arg9[%swap3A, %swap3A_92], %swap3A_95 {strides = array<i32>} : memref<512x64xf32, #tpu.memory_space<vmem>>, vector<1x16xf32>,
      %broadcast_in_dim3A_96 = arith.constant 0.000000e+00 : f32
      %broadcast_in_dim3A_97 = vector.broadcast %broadcast_in_dim3A_96 : f32 to vector<16xf32>
      %swap3A_98 = arith.index_cast %scan3A_89 : i32 to index
      %swap3A_99 = arith.constant 16 : index
      %swap3A_100 = tpu.vector_load %arg9[%swap3A_98, %swap3A_99] {strides = array<i32>} : memref<512x64xf32, #tpu.memory_space<vmem>>, vector<1x16xf32>,
      %swap3A_101 = vector.shape_cast %swap3A_100 : vector<1x16xf32> to vector<16xf32>
      %swap3A_102 = vector.shape_cast %broadcast_in_dim3A_97 : vector<16xf32> to vector<1x16xf32>
      tpu.vector_store %arg9[%swap3A_98, %swap3A_99], %swap3A_102 {strides = array<i32>} : memref<512x64xf32, #tpu.memory_space<vmem>>, vector<1x16xf32>,
      %broadcast_in_dim3A_103 = arith.constant 0.000000e+00 : f32
      %broadcast_in_dim3A_104 = vector.broadcast %broadcast_in_dim3A_103 : f32 to vector<16xf32>
      %swap3A_105 = arith.index_cast %scan3A_89 : i32 to index
      %swap3A_106 = arith.constant 32 : index
      %swap3A_107 = tpu.vector_load %arg9[%swap3A_105, %swap3A_106] {strides = array<i32>} : memref<512x64xf32, #tpu.memory_space<vmem>>, vector<1x16xf32>,
      %swap3A_108 = vector.shape_cast %swap3A_107 : vector<1x16xf32> to vector<16xf32>
      %swap3A_109 = vector.shape_cast %broadcast_in_dim3A_104 : vector<16xf32> to vector<1x16xf32>
      tpu.vector_store %arg9[%swap3A_105, %swap3A_106], %swap3A_109 {strides = array<i32>} : memref<512x64xf32, #tpu.memory_space<vmem>>, vector<1x16xf32>,
      %broadcast_in_dim3A_110 = arith.constant 0.000000e+00 : f32
      %broadcast_in_dim3A_111 = vector.broadcast %broadcast_in_dim3A_110 : f32 to vector<16xf32>
      %swap3A_112 = arith.index_cast %scan3A_89 : i32 to index
      %swap3A_113 = arith.constant 48 : index
      %swap3A_114 = tpu.vector_load %arg9[%swap3A_112, %swap3A_113] {strides = array<i32>} : memref<512x64xf32, #tpu.memory_space<vmem>>, vector<1x16xf32>,
      %swap3A_115 = vector.shape_cast %swap3A_114 : vector<1x16xf32> to vector<16xf32>
      %swap3A_116 = vector.shape_cast %broadcast_in_dim3A_111 : vector<16xf32> to vector<1x16xf32>
      tpu.vector_store %arg9[%swap3A_112, %swap3A_113], %swap3A_116 {strides = array<i32>} : memref<512x64xf32, #tpu.memory_space<vmem>>, vector<1x16xf32>,
      %scan3A_117 = arith.constant 0 : i32
      scf.yield %scan3A_117 : i32
    }
    %scan3A_10 = arith.constant 512 : i32
    %mul3A_11 = arith.constant 640 : i32
    %mul3A_12 = arith.muli %arg1, %mul3A_11 : i32
    %add3A_13 = arith.constant 0 : i32
    %add3A_14 = arith.addi %mul3A_12, %add3A_13 : i32
    %eq3A = arith.constant 0 : i32
    %eq3A_15 = arith.cmpi eq, %arg0, %eq3A : i32
    %convert_element_type3A = arith.extui %eq3A_15 : i1 to i32
    %cond3A = arith.constant 0 : i32
    %cond3A_16 = arith.cmpi ne, %convert_element_type3A, %cond3A : i32
    scf.if %cond3A_16 {
      "tpu.region"() ({
        %run_scoped3A_89 = tpu.sem_alloc : memref<!tpu.dma_semaphore, #tpu.memory_space<semaphore_mem>>
        %dma_start3A_90 = arith.constant 0 : i32
        %dma_start3A_91 = arith.constant 0 : i32
        %dma_start3A_92 = tpu.memref_slice %arg8[%dma_start3A_90, %dma_start3A_91] : memref<512x64xf32, #tpu.memory_space<vmem>> -> memref<512x64xf32, #tpu.memory_space<vmem>>
        %dma_start3A_93 = arith.constant 0 : i32
        %dma_start3A_94 = tpu.memref_slice %arg2[%add3A_14, %dma_start3A_93] : memref<10240x64xf32, #tpu.memory_space<hbm>> -> memref<512x64xf32, #tpu.memory_space<hbm>>
        %dma_start3A_95 = arith.constant 0 : i32
        %dma_start3A_96 = arith.constant 0 : i32
        %dma_start3A_97 = tpu.memref_slice %arg8[%dma_start3A_95, %dma_start3A_96] : memref<512x64xf32, #tpu.memory_space<vmem>> -> memref<512x64xf32, #tpu.memory_space<vmem>>
        %dma_start3A_98 = arith.constant 0 : i32
        %dma_start3A_99 = tpu.memref_slice %arg2[%add3A_14, %dma_start3A_98] : memref<10240x64xf32, #tpu.memory_space<hbm>> -> memref<512x64xf32, #tpu.memory_space<hbm>>
        tpu.enqueue_dma source(%dma_start3A_99 : memref<512x64xf32, #tpu.memory_space<hbm>>) target(%dma_start3A_97 : memref<512x64xf32, #tpu.memory_space<vmem>>) target_semaphore(%run_scoped3A_89 : memref<!tpu.dma_semaphore, #tpu.memory_space<semaphore_mem>>)
        %dma_wait3A_100 = arith.constant 0 : i32
        %dma_wait3A_101 = arith.constant 0 : i32
        %dma_wait3A_102 = tpu.memref_slice %arg8[%dma_wait3A_100, %dma_wait3A_101] : memref<512x64xf32, #tpu.memory_space<vmem>> -> memref<512x64xf32, #tpu.memory_space<vmem>>
        %dma_wait3A_103 = arith.constant 0 : i32
        %dma_wait3A_104 = tpu.memref_slice %arg2[%add3A_14, %dma_wait3A_103] : memref<10240x64xf32, #tpu.memory_space<hbm>> -> memref<512x64xf32, #tpu.memory_space<hbm>>
        %dma_wait3A_105 = arith.constant 0 : i32
        %dma_wait3A_106 = arith.constant 0 : i32
        %dma_wait3A_107 = tpu.memref_slice %arg8[%dma_wait3A_105, %dma_wait3A_106] : memref<512x64xf32, #tpu.memory_space<vmem>> -> memref<512x64xf32, #tpu.memory_space<vmem>>
        %dma_wait3A_108 = arith.constant 0 : i32
        %dma_wait3A_109 = tpu.memref_slice %arg2[%add3A_14, %dma_wait3A_108] : memref<10240x64xf32, #tpu.memory_space<hbm>> -> memref<512x64xf32, #tpu.memory_space<hbm>>
        tpu.wait_dma2 semaphore(%run_scoped3A_89 : memref<!tpu.dma_semaphore, #tpu.memory_space<semaphore_mem>>) src(%dma_wait3A_109 : memref<512x64xf32, #tpu.memory_space<hbm>>) dst(%dma_wait3A_107 : memref<512x64xf32, #tpu.memory_space<vmem>>)
        tpu.yield
      }) : () -> ()
      "tpu.region"() ({
        %run_scoped3A_89 = tpu.sem_alloc : memref<!tpu.dma_semaphore, #tpu.memory_space<semaphore_mem>>
        %dma_start3A_90 = arith.constant 0 : i32
        %dma_start3A_91 = arith.constant 0 : i32
        %dma_start3A_92 = tpu.memref_slice %arg8[%dma_start3A_90, %dma_start3A_91] : memref<512x64xf32, #tpu.memory_space<vmem>> -> memref<512x64xf32, #tpu.memory_space<vmem>>
        %dma_start3A_93 = arith.constant 0 : i32
        %dma_start3A_94 = tpu.memref_slice %arg10[%add3A_14, %dma_start3A_93] : memref<10240x64xf32, #tpu.memory_space<vmem_shared>> -> memref<512x64xf32, #tpu.memory_space<vmem_shared>>
        %dma_start3A_95 = arith.constant 0 : i32
        %dma_start3A_96 = tpu.memref_slice %arg10[%add3A_14, %dma_start3A_95] : memref<10240x64xf32, #tpu.memory_space<vmem_shared>> -> memref<512x64xf32, #tpu.memory_space<vmem_shared>>
        %dma_start3A_97 = arith.constant 0 : i32
        %dma_start3A_98 = arith.constant 0 : i32
        %dma_start3A_99 = tpu.memref_slice %arg8[%dma_start3A_97, %dma_start3A_98] : memref<512x64xf32, #tpu.memory_space<vmem>> -> memref<512x64xf32, #tpu.memory_space<vmem>>
        tpu.enqueue_dma source(%dma_start3A_99 : memref<512x64xf32, #tpu.memory_space<vmem>>) target(%dma_start3A_96 : memref<512x64xf32, #tpu.memory_space<vmem_shared>>) target_semaphore(%run_scoped3A_89 : memref<!tpu.dma_semaphore, #tpu.memory_space<semaphore_mem>>)
        %dma_wait3A_100 = arith.constant 0 : i32
        %dma_wait3A_101 = arith.constant 0 : i32
        %dma_wait3A_102 = tpu.memref_slice %arg8[%dma_wait3A_100, %dma_wait3A_101] : memref<512x64xf32, #tpu.memory_space<vmem>> -> memref<512x64xf32, #tpu.memory_space<vmem>>
        %dma_wait3A_103 = arith.constant 0 : i32
        %dma_wait3A_104 = tpu.memref_slice %arg10[%add3A_14, %dma_wait3A_103] : memref<10240x64xf32, #tpu.memory_space<vmem_shared>> -> memref<512x64xf32, #tpu.memory_space<vmem_shared>>
        %dma_wait3A_105 = arith.constant 0 : i32
        %dma_wait3A_106 = tpu.memref_slice %arg10[%add3A_14, %dma_wait3A_105] : memref<10240x64xf32, #tpu.memory_space<vmem_shared>> -> memref<512x64xf32, #tpu.memory_space<vmem_shared>>
        %dma_wait3A_107 = arith.constant 0 : i32
        %dma_wait3A_108 = arith.constant 0 : i32
        %dma_wait3A_109 = tpu.memref_slice %arg8[%dma_wait3A_107, %dma_wait3A_108] : memref<512x64xf32, #tpu.memory_space<vmem>> -> memref<512x64xf32, #tpu.memory_space<vmem>>
        tpu.wait_dma2 semaphore(%run_scoped3A_89 : memref<!tpu.dma_semaphore, #tpu.memory_space<semaphore_mem>>) src(%dma_wait3A_109 : memref<512x64xf32, #tpu.memory_space<vmem>>) dst(%dma_wait3A_106 : memref<512x64xf32, #tpu.memory_space<vmem_shared>>)
        tpu.yield
      }) : () -> ()
    } else {
    }
    %ne3A = arith.constant 0 : i32
    %ne3A_17 = arith.cmpi ne, %arg0, %ne3A : i32
    %convert_element_type3A_18 = arith.extui %ne3A_17 : i1 to i32
    %cond3A_19 = arith.constant 0 : i32
    %cond3A_20 = arith.cmpi ne, %convert_element_type3A_18, %cond3A_19 : i32
    scf.if %cond3A_20 {
      "tpu.region"() ({
        %run_scoped3A_89 = tpu.sem_alloc : memref<!tpu.dma_semaphore, #tpu.memory_space<semaphore_mem>>
        %dma_start3A_90 = arith.constant 0 : i32
        %dma_start3A_91 = arith.constant 0 : i32
        %dma_start3A_92 = tpu.memref_slice %arg9[%dma_start3A_90, %dma_start3A_91] : memref<512x64xf32, #tpu.memory_space<vmem>> -> memref<512x64xf32, #tpu.memory_space<vmem>>
        %dma_start3A_93 = arith.constant 0 : i32
        %dma_start3A_94 = tpu.memref_slice %arg10[%add3A_14, %dma_start3A_93] : memref<10240x64xf32, #tpu.memory_space<vmem_shared>> -> memref<512x64xf32, #tpu.memory_space<vmem_shared>>
        %dma_start3A_95 = arith.constant 0 : i32
        %dma_start3A_96 = tpu.memref_slice %arg10[%add3A_14, %dma_start3A_95] : memref<10240x64xf32, #tpu.memory_space<vmem_shared>> -> memref<512x64xf32, #tpu.memory_space<vmem_shared>>
        %dma_start3A_97 = arith.constant 0 : i32
        %dma_start3A_98 = arith.constant 0 : i32
        %dma_start3A_99 = tpu.memref_slice %arg9[%dma_start3A_97, %dma_start3A_98] : memref<512x64xf32, #tpu.memory_space<vmem>> -> memref<512x64xf32, #tpu.memory_space<vmem>>
        tpu.enqueue_dma source(%dma_start3A_99 : memref<512x64xf32, #tpu.memory_space<vmem>>) target(%dma_start3A_96 : memref<512x64xf32, #tpu.memory_space<vmem_shared>>) target_semaphore(%run_scoped3A_89 : memref<!tpu.dma_semaphore, #tpu.memory_space<semaphore_mem>>)
        %dma_wait3A_100 = arith.constant 0 : i32
        %dma_wait3A_101 = arith.constant 0 : i32
        %dma_wait3A_102 = tpu.memref_slice %arg9[%dma_wait3A_100, %dma_wait3A_101] : memref<512x64xf32, #tpu.memory_space<vmem>> -> memref<512x64xf32, #tpu.memory_space<vmem>>
        %dma_wait3A_103 = arith.constant 0 : i32
        %dma_wait3A_104 = tpu.memref_slice %arg10[%add3A_14, %dma_wait3A_103] : memref<10240x64xf32, #tpu.memory_space<vmem_shared>> -> memref<512x64xf32, #tpu.memory_space<vmem_shared>>
        %dma_wait3A_105 = arith.constant 0 : i32
        %dma_wait3A_106 = tpu.memref_slice %arg10[%add3A_14, %dma_wait3A_105] : memref<10240x64xf32, #tpu.memory_space<vmem_shared>> -> memref<512x64xf32, #tpu.memory_space<vmem_shared>>
        %dma_wait3A_107 = arith.constant 0 : i32
        %dma_wait3A_108 = arith.constant 0 : i32
        %dma_wait3A_109 = tpu.memref_slice %arg9[%dma_wait3A_107, %dma_wait3A_108] : memref<512x64xf32, #tpu.memory_space<vmem>> -> memref<512x64xf32, #tpu.memory_space<vmem>>
        tpu.wait_dma2 semaphore(%run_scoped3A_89 : memref<!tpu.dma_semaphore, #tpu.memory_space<semaphore_mem>>) src(%dma_wait3A_109 : memref<512x64xf32, #tpu.memory_space<vmem>>) dst(%dma_wait3A_106 : memref<512x64xf32, #tpu.memory_space<vmem_shared>>)
        tpu.yield
      }) : () -> ()
    } else {
    }
    %mul3A_21 = arith.constant 640 : i32
    %mul3A_22 = arith.muli %arg1, %mul3A_21 : i32
    %add3A_23 = arith.constant 512 : i32
    %add3A_24 = arith.addi %mul3A_22, %add3A_23 : i32
    %eq3A_25 = arith.constant 0 : i32
    %eq3A_26 = arith.cmpi eq, %arg0, %eq3A_25 : i32
    %convert_element_type3A_27 = arith.extui %eq3A_26 : i1 to i32
    %cond3A_28 = arith.constant 0 : i32
    %cond3A_29 = arith.cmpi ne, %convert_element_type3A_27, %cond3A_28 : i32
    scf.if %cond3A_29 {
      "tpu.region"() ({
        %run_scoped3A_89 = tpu.sem_alloc : memref<!tpu.dma_semaphore, #tpu.memory_space<semaphore_mem>>
        %dma_start3A_90 = arith.constant 0 : i32
        %dma_start3A_91 = arith.constant 0 : i32
        %dma_start3A_92 = tpu.memref_slice %arg8[%dma_start3A_90, %dma_start3A_91] : memref<512x64xf32, #tpu.memory_space<vmem>> -> memref<128x64xf32, #tpu.memory_space<vmem>>
        %dma_start3A_93 = arith.constant 0 : i32
        %dma_start3A_94 = tpu.memref_slice %arg2[%add3A_24, %dma_start3A_93] : memref<10240x64xf32, #tpu.memory_space<hbm>> -> memref<128x64xf32, #tpu.memory_space<hbm>>
        %dma_start3A_95 = arith.constant 0 : i32
        %dma_start3A_96 = arith.constant 0 : i32
        %dma_start3A_97 = tpu.memref_slice %arg8[%dma_start3A_95, %dma_start3A_96] : memref<512x64xf32, #tpu.memory_space<vmem>> -> memref<128x64xf32, #tpu.memory_space<vmem>>
        %dma_start3A_98 = arith.constant 0 : i32
        %dma_start3A_99 = tpu.memref_slice %arg2[%add3A_24, %dma_start3A_98] : memref<10240x64xf32, #tpu.memory_space<hbm>> -> memref<128x64xf32, #tpu.memory_space<hbm>>
        tpu.enqueue_dma source(%dma_start3A_99 : memref<128x64xf32, #tpu.memory_space<hbm>>) target(%dma_start3A_97 : memref<128x64xf32, #tpu.memory_space<vmem>>) target_semaphore(%run_scoped3A_89 : memref<!tpu.dma_semaphore, #tpu.memory_space<semaphore_mem>>)
        %dma_wait3A_100 = arith.constant 0 : i32
        %dma_wait3A_101 = arith.constant 0 : i32
        %dma_wait3A_102 = tpu.memref_slice %arg8[%dma_wait3A_100, %dma_wait3A_101] : memref<512x64xf32, #tpu.memory_space<vmem>> -> memref<128x64xf32, #tpu.memory_space<vmem>>
        %dma_wait3A_103 = arith.constant 0 : i32
        %dma_wait3A_104 = tpu.memref_slice %arg2[%add3A_24, %dma_wait3A_103] : memref<10240x64xf32, #tpu.memory_space<hbm>> -> memref<128x64xf32, #tpu.memory_space<hbm>>
        %dma_wait3A_105 = arith.constant 0 : i32
        %dma_wait3A_106 = arith.constant 0 : i32
        %dma_wait3A_107 = tpu.memref_slice %arg8[%dma_wait3A_105, %dma_wait3A_106] : memref<512x64xf32, #tpu.memory_space<vmem>> -> memref<128x64xf32, #tpu.memory_space<vmem>>
        %dma_wait3A_108 = arith.constant 0 : i32
        %dma_wait3A_109 = tpu.memref_slice %arg2[%add3A_24, %dma_wait3A_108] : memref<10240x64xf32, #tpu.memory_space<hbm>> -> memref<128x64xf32, #tpu.memory_space<hbm>>
        tpu.wait_dma2 semaphore(%run_scoped3A_89 : memref<!tpu.dma_semaphore, #tpu.memory_space<semaphore_mem>>) src(%dma_wait3A_109 : memref<128x64xf32, #tpu.memory_space<hbm>>) dst(%dma_wait3A_107 : memref<128x64xf32, #tpu.memory_space<vmem>>)
        tpu.yield
      }) : () -> ()
      "tpu.region"() ({
        %run_scoped3A_89 = tpu.sem_alloc : memref<!tpu.dma_semaphore, #tpu.memory_space<semaphore_mem>>
        %dma_start3A_90 = arith.constant 0 : i32
        %dma_start3A_91 = arith.constant 0 : i32
        %dma_start3A_92 = tpu.memref_slice %arg8[%dma_start3A_90, %dma_start3A_91] : memref<512x64xf32, #tpu.memory_space<vmem>> -> memref<128x64xf32, #tpu.memory_space<vmem>>
        %dma_start3A_93 = arith.constant 0 : i32
        %dma_start3A_94 = tpu.memref_slice %arg10[%add3A_24, %dma_start3A_93] : memref<10240x64xf32, #tpu.memory_space<vmem_shared>> -> memref<128x64xf32, #tpu.memory_space<vmem_shared>>
        %dma_start3A_95 = arith.constant 0 : i32
        %dma_start3A_96 = tpu.memref_slice %arg10[%add3A_24, %dma_start3A_95] : memref<10240x64xf32, #tpu.memory_space<vmem_shared>> -> memref<128x64xf32, #tpu.memory_space<vmem_shared>>
        %dma_start3A_97 = arith.constant 0 : i32
        %dma_start3A_98 = arith.constant 0 : i32
        %dma_start3A_99 = tpu.memref_slice %arg8[%dma_start3A_97, %dma_start3A_98] : memref<512x64xf32, #tpu.memory_space<vmem>> -> memref<128x64xf32, #tpu.memory_space<vmem>>
        tpu.enqueue_dma source(%dma_start3A_99 : memref<128x64xf32, #tpu.memory_space<vmem>>) target(%dma_start3A_96 : memref<128x64xf32, #tpu.memory_space<vmem_shared>>) target_semaphore(%run_scoped3A_89 : memref<!tpu.dma_semaphore, #tpu.memory_space<semaphore_mem>>)
        %dma_wait3A_100 = arith.constant 0 : i32
        %dma_wait3A_101 = arith.constant 0 : i32
        %dma_wait3A_102 = tpu.memref_slice %arg8[%dma_wait3A_100, %dma_wait3A_101] : memref<512x64xf32, #tpu.memory_space<vmem>> -> memref<128x64xf32, #tpu.memory_space<vmem>>
        %dma_wait3A_103 = arith.constant 0 : i32
        %dma_wait3A_104 = tpu.memref_slice %arg10[%add3A_24, %dma_wait3A_103] : memref<10240x64xf32, #tpu.memory_space<vmem_shared>> -> memref<128x64xf32, #tpu.memory_space<vmem_shared>>
        %dma_wait3A_105 = arith.constant 0 : i32
        %dma_wait3A_106 = tpu.memref_slice %arg10[%add3A_24, %dma_wait3A_105] : memref<10240x64xf32, #tpu.memory_space<vmem_shared>> -> memref<128x64xf32, #tpu.memory_space<vmem_shared>>
        %dma_wait3A_107 = arith.constant 0 : i32
        %dma_wait3A_108 = arith.constant 0 : i32
        %dma_wait3A_109 = tpu.memref_slice %arg8[%dma_wait3A_107, %dma_wait3A_108] : memref<512x64xf32, #tpu.memory_space<vmem>> -> memref<128x64xf32, #tpu.memory_space<vmem>>
        tpu.wait_dma2 semaphore(%run_scoped3A_89 : memref<!tpu.dma_semaphore, #tpu.memory_space<semaphore_mem>>) src(%dma_wait3A_109 : memref<128x64xf32, #tpu.memory_space<vmem>>) dst(%dma_wait3A_106 : memref<128x64xf32, #tpu.memory_space<vmem_shared>>)
        tpu.yield
      }) : () -> ()
    } else {
    }
    %ne3A_30 = arith.constant 0 : i32
    %ne3A_31 = arith.cmpi ne, %arg0, %ne3A_30 : i32
    %convert_element_type3A_32 = arith.extui %ne3A_31 : i1 to i32
    %cond3A_33 = arith.constant 0 : i32
    %cond3A_34 = arith.cmpi ne, %convert_element_type3A_32, %cond3A_33 : i32
    scf.if %cond3A_34 {
      "tpu.region"() ({
        %run_scoped3A_89 = tpu.sem_alloc : memref<!tpu.dma_semaphore, #tpu.memory_space<semaphore_mem>>
        %dma_start3A_90 = arith.constant 0 : i32
        %dma_start3A_91 = arith.constant 0 : i32
        %dma_start3A_92 = tpu.memref_slice %arg9[%dma_start3A_90, %dma_start3A_91] : memref<512x64xf32, #tpu.memory_space<vmem>> -> memref<128x64xf32, #tpu.memory_space<vmem>>
        %dma_start3A_93 = arith.constant 0 : i32
        %dma_start3A_94 = tpu.memref_slice %arg10[%add3A_24, %dma_start3A_93] : memref<10240x64xf32, #tpu.memory_space<vmem_shared>> -> memref<128x64xf32, #tpu.memory_space<vmem_shared>>
        %dma_start3A_95 = arith.constant 0 : i32
        %dma_start3A_96 = tpu.memref_slice %arg10[%add3A_24, %dma_start3A_95] : memref<10240x64xf32, #tpu.memory_space<vmem_shared>> -> memref<128x64xf32, #tpu.memory_space<vmem_shared>>
        %dma_start3A_97 = arith.constant 0 : i32
        %dma_start3A_98 = arith.constant 0 : i32
        %dma_start3A_99 = tpu.memref_slice %arg9[%dma_start3A_97, %dma_start3A_98] : memref<512x64xf32, #tpu.memory_space<vmem>> -> memref<128x64xf32, #tpu.memory_space<vmem>>
        tpu.enqueue_dma source(%dma_start3A_99 : memref<128x64xf32, #tpu.memory_space<vmem>>) target(%dma_start3A_96 : memref<128x64xf32, #tpu.memory_space<vmem_shared>>) target_semaphore(%run_scoped3A_89 : memref<!tpu.dma_semaphore, #tpu.memory_space<semaphore_mem>>)
        %dma_wait3A_100 = arith.constant 0 : i32
        %dma_wait3A_101 = arith.constant 0 : i32
        %dma_wait3A_102 = tpu.memref_slice %arg9[%dma_wait3A_100, %dma_wait3A_101] : memref<512x64xf32, #tpu.memory_space<vmem>> -> memref<128x64xf32, #tpu.memory_space<vmem>>
        %dma_wait3A_103 = arith.constant 0 : i32
        %dma_wait3A_104 = tpu.memref_slice %arg10[%add3A_24, %dma_wait3A_103] : memref<10240x64xf32, #tpu.memory_space<vmem_shared>> -> memref<128x64xf32, #tpu.memory_space<vmem_shared>>
        %dma_wait3A_105 = arith.constant 0 : i32
        %dma_wait3A_106 = tpu.memref_slice %arg10[%add3A_24, %dma_wait3A_105] : memref<10240x64xf32, #tpu.memory_space<vmem_shared>> -> memref<128x64xf32, #tpu.memory_space<vmem_shared>>
        %dma_wait3A_107 = arith.constant 0 : i32
        %dma_wait3A_108 = arith.constant 0 : i32
        %dma_wait3A_109 = tpu.memref_slice %arg9[%dma_wait3A_107, %dma_wait3A_108] : memref<512x64xf32, #tpu.memory_space<vmem>> -> memref<128x64xf32, #tpu.memory_space<vmem>>
        tpu.wait_dma2 semaphore(%run_scoped3A_89 : memref<!tpu.dma_semaphore, #tpu.memory_space<semaphore_mem>>) src(%dma_wait3A_109 : memref<128x64xf32, #tpu.memory_space<vmem>>) dst(%dma_wait3A_106 : memref<128x64xf32, #tpu.memory_space<vmem_shared>>)
        tpu.yield
      }) : () -> ()
    } else {
    }
    "tpu.region"() ({
      %run_scoped3A_89 = tpu.sem_alloc : memref<!tpu.dma_semaphore, #tpu.memory_space<semaphore_mem>>
      %dma_start3A_90 = arith.constant 0 : i32
      %dma_start3A_91 = arith.constant 0 : i32
      %dma_start3A_92 = tpu.memref_slice %arg6[%dma_start3A_90, %dma_start3A_91] : memref<20x512xi32, #tpu.memory_space<vmem>> -> memref<19x512xi32, #tpu.memory_space<vmem>>
      %dma_start3A_93 = arith.constant 0 : i32
      %dma_start3A_94 = tpu.memref_slice %arg3[%add3A_4, %dma_start3A_93] : memref<625x512xi32, #tpu.memory_space<hbm>> -> memref<19x512xi32, #tpu.memory_space<hbm>>
      %dma_start3A_95 = arith.constant 0 : i32
      %dma_start3A_96 = arith.constant 0 : i32
      %dma_start3A_97 = tpu.memref_slice %arg6[%dma_start3A_95, %dma_start3A_96] : memref<20x512xi32, #tpu.memory_space<vmem>> -> memref<19x512xi32, #tpu.memory_space<vmem>>
      %dma_start3A_98 = arith.constant 0 : i32
      %dma_start3A_99 = tpu.memref_slice %arg3[%add3A_4, %dma_start3A_98] : memref<625x512xi32, #tpu.memory_space<hbm>> -> memref<19x512xi32, #tpu.memory_space<hbm>>
      tpu.enqueue_dma source(%dma_start3A_99 : memref<19x512xi32, #tpu.memory_space<hbm>>) target(%dma_start3A_97 : memref<19x512xi32, #tpu.memory_space<vmem>>) target_semaphore(%run_scoped3A_89 : memref<!tpu.dma_semaphore, #tpu.memory_space<semaphore_mem>>)
      %dma_wait3A_100 = arith.constant 0 : i32
      %dma_wait3A_101 = arith.constant 0 : i32
      %dma_wait3A_102 = tpu.memref_slice %arg6[%dma_wait3A_100, %dma_wait3A_101] : memref<20x512xi32, #tpu.memory_space<vmem>> -> memref<19x512xi32, #tpu.memory_space<vmem>>
      %dma_wait3A_103 = arith.constant 0 : i32
      %dma_wait3A_104 = tpu.memref_slice %arg3[%add3A_4, %dma_wait3A_103] : memref<625x512xi32, #tpu.memory_space<hbm>> -> memref<19x512xi32, #tpu.memory_space<hbm>>
      %dma_wait3A_105 = arith.constant 0 : i32
      %dma_wait3A_106 = arith.constant 0 : i32
      %dma_wait3A_107 = tpu.memref_slice %arg6[%dma_wait3A_105, %dma_wait3A_106] : memref<20x512xi32, #tpu.memory_space<vmem>> -> memref<19x512xi32, #tpu.memory_space<vmem>>
      %dma_wait3A_108 = arith.constant 0 : i32
      %dma_wait3A_109 = tpu.memref_slice %arg3[%add3A_4, %dma_wait3A_108] : memref<625x512xi32, #tpu.memory_space<hbm>> -> memref<19x512xi32, #tpu.memory_space<hbm>>
      tpu.wait_dma2 semaphore(%run_scoped3A_89 : memref<!tpu.dma_semaphore, #tpu.memory_space<semaphore_mem>>) src(%dma_wait3A_109 : memref<19x512xi32, #tpu.memory_space<hbm>>) dst(%dma_wait3A_107 : memref<19x512xi32, #tpu.memory_space<vmem>>)
      tpu.yield
    }) : () -> ()
    "tpu.region"() ({
      %run_scoped3A_89 = tpu.sem_alloc : memref<!tpu.dma_semaphore, #tpu.memory_space<semaphore_mem>>
      %dma_start3A_90 = arith.constant 0 : i32
      %dma_start3A_91 = arith.constant 0 : i32
      %dma_start3A_92 = tpu.memref_slice %arg7[%dma_start3A_90, %dma_start3A_91] : memref<20x512xi32, #tpu.memory_space<vmem>> -> memref<19x512xi32, #tpu.memory_space<vmem>>
      %dma_start3A_93 = arith.constant 0 : i32
      %dma_start3A_94 = tpu.memref_slice %arg4[%add3A_4, %dma_start3A_93] : memref<625x512xi32, #tpu.memory_space<hbm>> -> memref<19x512xi32, #tpu.memory_space<hbm>>
      %dma_start3A_95 = arith.constant 0 : i32
      %dma_start3A_96 = arith.constant 0 : i32
      %dma_start3A_97 = tpu.memref_slice %arg7[%dma_start3A_95, %dma_start3A_96] : memref<20x512xi32, #tpu.memory_space<vmem>> -> memref<19x512xi32, #tpu.memory_space<vmem>>
      %dma_start3A_98 = arith.constant 0 : i32
      %dma_start3A_99 = tpu.memref_slice %arg4[%add3A_4, %dma_start3A_98] : memref<625x512xi32, #tpu.memory_space<hbm>> -> memref<19x512xi32, #tpu.memory_space<hbm>>
      tpu.enqueue_dma source(%dma_start3A_99 : memref<19x512xi32, #tpu.memory_space<hbm>>) target(%dma_start3A_97 : memref<19x512xi32, #tpu.memory_space<vmem>>) target_semaphore(%run_scoped3A_89 : memref<!tpu.dma_semaphore, #tpu.memory_space<semaphore_mem>>)
      %dma_wait3A_100 = arith.constant 0 : i32
      %dma_wait3A_101 = arith.constant 0 : i32
      %dma_wait3A_102 = tpu.memref_slice %arg7[%dma_wait3A_100, %dma_wait3A_101] : memref<20x512xi32, #tpu.memory_space<vmem>> -> memref<19x512xi32, #tpu.memory_space<vmem>>
      %dma_wait3A_103 = arith.constant 0 : i32
      %dma_wait3A_104 = tpu.memref_slice %arg4[%add3A_4, %dma_wait3A_103] : memref<625x512xi32, #tpu.memory_space<hbm>> -> memref<19x512xi32, #tpu.memory_space<hbm>>
      %dma_wait3A_105 = arith.constant 0 : i32
      %dma_wait3A_106 = arith.constant 0 : i32
      %dma_wait3A_107 = tpu.memref_slice %arg7[%dma_wait3A_105, %dma_wait3A_106] : memref<20x512xi32, #tpu.memory_space<vmem>> -> memref<19x512xi32, #tpu.memory_space<vmem>>
      %dma_wait3A_108 = arith.constant 0 : i32
      %dma_wait3A_109 = tpu.memref_slice %arg4[%add3A_4, %dma_wait3A_108] : memref<625x512xi32, #tpu.memory_space<hbm>> -> memref<19x512xi32, #tpu.memory_space<hbm>>
      tpu.wait_dma2 semaphore(%run_scoped3A_89 : memref<!tpu.dma_semaphore, #tpu.memory_space<semaphore_mem>>) src(%dma_wait3A_109 : memref<19x512xi32, #tpu.memory_space<hbm>>) dst(%dma_wait3A_107 : memref<19x512xi32, #tpu.memory_space<vmem>>)
      tpu.yield
    }) : () -> ()
    %lt3A = arith.constant 17 : i32
    %lt3A_35 = arith.cmpi slt, %add3A, %lt3A : i32
    %convert_element_type3A_36 = arith.extui %lt3A_35 : i1 to i32
    %cond3A_37 = arith.constant 0 : i32
    %cond3A_38 = arith.cmpi ne, %convert_element_type3A_36, %cond3A_37 : i32
    scf.if %cond3A_38 {
      %add3A_89 = arith.constant 19 : i32
      %add3A_90 = arith.addi %add3A_4, %add3A_89 : i32
      "tpu.region"() ({
        %run_scoped3A_93 = tpu.sem_alloc : memref<!tpu.dma_semaphore, #tpu.memory_space<semaphore_mem>>
        %dma_start3A_94 = arith.constant 19 : i32
        %dma_start3A_95 = arith.constant 0 : i32
        %dma_start3A_96 = tpu.memref_slice %arg6[%dma_start3A_94, %dma_start3A_95] : memref<20x512xi32, #tpu.memory_space<vmem>> -> memref<1x512xi32, #tpu.memory_space<vmem>>
        %dma_start3A_97 = arith.constant 0 : i32
        %dma_start3A_98 = tpu.memref_slice %arg3[%add3A_90, %dma_start3A_97] : memref<625x512xi32, #tpu.memory_space<hbm>> -> memref<1x512xi32, #tpu.memory_space<hbm>>
        %dma_start3A_99 = arith.constant 19 : i32
        %dma_start3A_100 = arith.constant 0 : i32
        %dma_start3A_101 = tpu.memref_slice %arg6[%dma_start3A_99, %dma_start3A_100] : memref<20x512xi32, #tpu.memory_space<vmem>> -> memref<1x512xi32, #tpu.memory_space<vmem>>
        %dma_start3A_102 = arith.constant 0 : i32
        %dma_start3A_103 = tpu.memref_slice %arg3[%add3A_90, %dma_start3A_102] : memref<625x512xi32, #tpu.memory_space<hbm>> -> memref<1x512xi32, #tpu.memory_space<hbm>>
        tpu.enqueue_dma source(%dma_start3A_103 : memref<1x512xi32, #tpu.memory_space<hbm>>) target(%dma_start3A_101 : memref<1x512xi32, #tpu.memory_space<vmem>>) target_semaphore(%run_scoped3A_93 : memref<!tpu.dma_semaphore, #tpu.memory_space<semaphore_mem>>)
        %dma_wait3A_104 = arith.constant 19 : i32
        %dma_wait3A_105 = arith.constant 0 : i32
        %dma_wait3A_106 = tpu.memref_slice %arg6[%dma_wait3A_104, %dma_wait3A_105] : memref<20x512xi32, #tpu.memory_space<vmem>> -> memref<1x512xi32, #tpu.memory_space<vmem>>
        %dma_wait3A_107 = arith.constant 0 : i32
        %dma_wait3A_108 = tpu.memref_slice %arg3[%add3A_90, %dma_wait3A_107] : memref<625x512xi32, #tpu.memory_space<hbm>> -> memref<1x512xi32, #tpu.memory_space<hbm>>
        %dma_wait3A_109 = arith.constant 19 : i32
        %dma_wait3A_110 = arith.constant 0 : i32
        %dma_wait3A_111 = tpu.memref_slice %arg6[%dma_wait3A_109, %dma_wait3A_110] : memref<20x512xi32, #tpu.memory_space<vmem>> -> memref<1x512xi32, #tpu.memory_space<vmem>>
        %dma_wait3A_112 = arith.constant 0 : i32
        %dma_wait3A_113 = tpu.memref_slice %arg3[%add3A_90, %dma_wait3A_112] : memref<625x512xi32, #tpu.memory_space<hbm>> -> memref<1x512xi32, #tpu.memory_space<hbm>>
        tpu.wait_dma2 semaphore(%run_scoped3A_93 : memref<!tpu.dma_semaphore, #tpu.memory_space<semaphore_mem>>) src(%dma_wait3A_113 : memref<1x512xi32, #tpu.memory_space<hbm>>) dst(%dma_wait3A_111 : memref<1x512xi32, #tpu.memory_space<vmem>>)
        tpu.yield
      }) : () -> ()
      %add3A_91 = arith.constant 19 : i32
      %add3A_92 = arith.addi %add3A_4, %add3A_91 : i32
      "tpu.region"() ({
        %run_scoped3A_93 = tpu.sem_alloc : memref<!tpu.dma_semaphore, #tpu.memory_space<semaphore_mem>>
        %dma_start3A_94 = arith.constant 19 : i32
        %dma_start3A_95 = arith.constant 0 : i32
        %dma_start3A_96 = tpu.memref_slice %arg7[%dma_start3A_94, %dma_start3A_95] : memref<20x512xi32, #tpu.memory_space<vmem>> -> memref<1x512xi32, #tpu.memory_space<vmem>>
        %dma_start3A_97 = arith.constant 0 : i32
        %dma_start3A_98 = tpu.memref_slice %arg4[%add3A_92, %dma_start3A_97] : memref<625x512xi32, #tpu.memory_space<hbm>> -> memref<1x512xi32, #tpu.memory_space<hbm>>
        %dma_start3A_99 = arith.constant 19 : i32
        %dma_start3A_100 = arith.constant 0 : i32
        %dma_start3A_101 = tpu.memref_slice %arg7[%dma_start3A_99, %dma_start3A_100] : memref<20x512xi32, #tpu.memory_space<vmem>> -> memref<1x512xi32, #tpu.memory_space<vmem>>
        %dma_start3A_102 = arith.constant 0 : i32
        %dma_start3A_103 = tpu.memref_slice %arg4[%add3A_92, %dma_start3A_102] : memref<625x512xi32, #tpu.memory_space<hbm>> -> memref<1x512xi32, #tpu.memory_space<hbm>>
        tpu.enqueue_dma source(%dma_start3A_103 : memref<1x512xi32, #tpu.memory_space<hbm>>) target(%dma_start3A_101 : memref<1x512xi32, #tpu.memory_space<vmem>>) target_semaphore(%run_scoped3A_93 : memref<!tpu.dma_semaphore, #tpu.memory_space<semaphore_mem>>)
        %dma_wait3A_104 = arith.constant 19 : i32
        %dma_wait3A_105 = arith.constant 0 : i32
        %dma_wait3A_106 = tpu.memref_slice %arg7[%dma_wait3A_104, %dma_wait3A_105] : memref<20x512xi32, #tpu.memory_space<vmem>> -> memref<1x512xi32, #tpu.memory_space<vmem>>
        %dma_wait3A_107 = arith.constant 0 : i32
        %dma_wait3A_108 = tpu.memref_slice %arg4[%add3A_92, %dma_wait3A_107] : memref<625x512xi32, #tpu.memory_space<hbm>> -> memref<1x512xi32, #tpu.memory_space<hbm>>
        %dma_wait3A_109 = arith.constant 19 : i32
        %dma_wait3A_110 = arith.constant 0 : i32
        %dma_wait3A_111 = tpu.memref_slice %arg7[%dma_wait3A_109, %dma_wait3A_110] : memref<20x512xi32, #tpu.memory_space<vmem>> -> memref<1x512xi32, #tpu.memory_space<vmem>>
        %dma_wait3A_112 = arith.constant 0 : i32
        %dma_wait3A_113 = tpu.memref_slice %arg4[%add3A_92, %dma_wait3A_112] : memref<625x512xi32, #tpu.memory_space<hbm>> -> memref<1x512xi32, #tpu.memory_space<hbm>>
        tpu.wait_dma2 semaphore(%run_scoped3A_93 : memref<!tpu.dma_semaphore, #tpu.memory_space<semaphore_mem>>) src(%dma_wait3A_113 : memref<1x512xi32, #tpu.memory_space<hbm>>) dst(%dma_wait3A_111 : memref<1x512xi32, #tpu.memory_space<vmem>>)
        tpu.yield
      }) : () -> ()
    } else {
    }
    %barrier3A = arith.constant 0 : index
    tpu.barrier barrier_id(%barrier3A)
    %dma_start3A = arith.constant 0 : i32
    %dma_start3A_39 = arith.constant 0 : i32
    %dma_start3A_40 = tpu.memref_slice %arg6[%dma_start3A, %dma_start3A_39] : memref<20x512xi32, #tpu.memory_space<vmem>> -> memref<1x512xi32, #tpu.memory_space<vmem>>
    %dma_start3A_41 = tpu.memref_squeeze %dma_start3A_40 : memref<1x512xi32, #tpu.memory_space<vmem>> -> memref<512xi32, #tpu.memory_space<vmem>>
    %dma_start3A_42 = arith.constant 0 : i32
    %dma_start3A_43 = arith.constant 0 : i32
    %dma_start3A_44 = tpu.memref_slice %arg2[%dma_start3A_42, %dma_start3A_43] : memref<10240x64xf32, #tpu.memory_space<hbm>> -> memref<10240x64xf32, #tpu.memory_space<hbm>>
    tpu.enqueue_indirect_dma source(%dma_start3A_44 : memref<10240x64xf32, #tpu.memory_space<hbm>>) target(%arg8 : memref<512x64xf32, #tpu.memory_space<vmem>>) offsets(%dma_start3A_41 : memref<512xi32, #tpu.memory_space<vmem>>) semaphore(%arg11 : memref<!tpu.dma_semaphore, #tpu.memory_space<semaphore_mem>>)
    %dma_start3A_45 = arith.constant 1 : i32
    %dma_start3A_46 = arith.constant 0 : i32
    %dma_start3A_47 = tpu.memref_slice %arg6[%dma_start3A_45, %dma_start3A_46] : memref<20x512xi32, #tpu.memory_space<vmem>> -> memref<1x512xi32, #tpu.memory_space<vmem>>
    %dma_start3A_48 = tpu.memref_squeeze %dma_start3A_47 : memref<1x512xi32, #tpu.memory_space<vmem>> -> memref<512xi32, #tpu.memory_space<vmem>>
    %dma_start3A_49 = arith.constant 0 : i32
    %dma_start3A_50 = arith.constant 0 : i32
    %dma_start3A_51 = tpu.memref_slice %arg2[%dma_start3A_49, %dma_start3A_50] : memref<10240x64xf32, #tpu.memory_space<hbm>> -> memref<10240x64xf32, #tpu.memory_space<hbm>>
    tpu.enqueue_indirect_dma source(%dma_start3A_51 : memref<10240x64xf32, #tpu.memory_space<hbm>>) target(%arg9 : memref<512x64xf32, #tpu.memory_space<vmem>>) offsets(%dma_start3A_48 : memref<512xi32, #tpu.memory_space<vmem>>) semaphore(%arg12 : memref<!tpu.dma_semaphore, #tpu.memory_space<semaphore_mem>>)
    %scan3A_52 = arith.constant 0 : i32
    %scan3A_53 = arith.constant 0 : i32
    %scan3A_54 = arith.constant 8 : i32
    %scan3A_55 = arith.addi %scan3A_53, %scan3A_54 : i32
    %scan3A_56 = arith.constant 1 : i32
    %scan3A_57 = scf.for %scan3A_89 = %scan3A_53 to %scan3A_55 step %scan3A_56 iter_args(%scan3A_90 = %scan3A_52) -> (i32)  : i32 {
      %mul3A_91 = arith.constant 2 : i32
      %mul3A_92 = arith.muli %scan3A_89, %mul3A_91 : i32
      %dma_wait3A_93 = arith.constant 0 : i32
      %dma_wait3A_94 = tpu.memref_slice %arg6[%mul3A_92, %dma_wait3A_93] : memref<20x512xi32, #tpu.memory_space<vmem>> -> memref<1x512xi32, #tpu.memory_space<vmem>>
      %dma_wait3A_95 = tpu.memref_squeeze %dma_wait3A_94 : memref<1x512xi32, #tpu.memory_space<vmem>> -> memref<512xi32, #tpu.memory_space<vmem>>
      %dma_wait3A_96 = arith.constant 0 : i32
      %dma_wait3A_97 = arith.constant 0 : i32
      %dma_wait3A_98 = tpu.memref_slice %arg2[%dma_wait3A_96, %dma_wait3A_97] : memref<10240x64xf32, #tpu.memory_space<hbm>> -> memref<10240x64xf32, #tpu.memory_space<hbm>>
      tpu.wait_indirect_dma semaphore(%arg11 : memref<!tpu.dma_semaphore, #tpu.memory_space<semaphore_mem>>) src(%dma_wait3A_98 : memref<10240x64xf32, #tpu.memory_space<hbm>>) dst(%arg8 : memref<512x64xf32, #tpu.memory_space<vmem>>)
      "tpu.region"() ({
        %run_scoped3A_126 = tpu.sem_alloc : memref<!tpu.dma_semaphore, #tpu.memory_space<semaphore_mem>>
        %dma_start3A_127 = arith.constant 0 : i32
        %dma_start3A_128 = tpu.memref_slice %arg7[%mul3A_92, %dma_start3A_127] : memref<20x512xi32, #tpu.memory_space<vmem>> -> memref<1x512xi32, #tpu.memory_space<vmem>>
        %dma_start3A_129 = tpu.memref_squeeze %dma_start3A_128 : memref<1x512xi32, #tpu.memory_space<vmem>> -> memref<512xi32, #tpu.memory_space<vmem>>
        %dma_start3A_130 = arith.constant 0 : i32
        %dma_start3A_131 = arith.constant 0 : i32
        %dma_start3A_132 = tpu.memref_slice %arg10[%dma_start3A_130, %dma_start3A_131] : memref<10240x64xf32, #tpu.memory_space<vmem_shared>> -> memref<10240x64xf32, #tpu.memory_space<vmem_shared>>
        tpu.enqueue_indirect_dma source(%arg8 : memref<512x64xf32, #tpu.memory_space<vmem>>) target(%dma_start3A_132 : memref<10240x64xf32, #tpu.memory_space<vmem_shared>>) offsets(%dma_start3A_129 : memref<512xi32, #tpu.memory_space<vmem>>) semaphore(%run_scoped3A_126 : memref<!tpu.dma_semaphore, #tpu.memory_space<semaphore_mem>>) {add = true}
        %dma_wait3A_133 = arith.constant 0 : i32
        %dma_wait3A_134 = tpu.memref_slice %arg7[%mul3A_92, %dma_wait3A_133] : memref<20x512xi32, #tpu.memory_space<vmem>> -> memref<1x512xi32, #tpu.memory_space<vmem>>
        %dma_wait3A_135 = tpu.memref_squeeze %dma_wait3A_134 : memref<1x512xi32, #tpu.memory_space<vmem>> -> memref<512xi32, #tpu.memory_space<vmem>>
        %dma_wait3A_136 = arith.constant 0 : i32
        %dma_wait3A_137 = arith.constant 0 : i32
        %dma_wait3A_138 = tpu.memref_slice %arg10[%dma_wait3A_136, %dma_wait3A_137] : memref<10240x64xf32, #tpu.memory_space<vmem_shared>> -> memref<10240x64xf32, #tpu.memory_space<vmem_shared>>
        tpu.wait_indirect_dma semaphore(%run_scoped3A_126 : memref<!tpu.dma_semaphore, #tpu.memory_space<semaphore_mem>>) src(%arg8 : memref<512x64xf32, #tpu.memory_space<vmem>>) dst(%dma_wait3A_138 : memref<10240x64xf32, #tpu.memory_space<vmem_shared>>)
        tpu.yield
      }) : () -> ()
      %add3A_99 = arith.constant 2 : i32
      %add3A_100 = arith.addi %mul3A_92, %add3A_99 : i32
      %dma_start3A_101 = arith.constant 0 : i32
      %dma_start3A_102 = tpu.memref_slice %arg6[%add3A_100, %dma_start3A_101] : memref<20x512xi32, #tpu.memory_space<vmem>> -> memref<1x512xi32, #tpu.memory_space<vmem>>
      %dma_start3A_103 = tpu.memref_squeeze %dma_start3A_102 : memref<1x512xi32, #tpu.memory_space<vmem>> -> memref<512xi32, #tpu.memory_space<vmem>>
      %dma_start3A_104 = arith.constant 0 : i32
      %dma_start3A_105 = arith.constant 0 : i32
      %dma_start3A_106 = tpu.memref_slice %arg2[%dma_start3A_104, %dma_start3A_105] : memref<10240x64xf32, #tpu.memory_space<hbm>> -> memref<10240x64xf32, #tpu.memory_space<hbm>>
      tpu.enqueue_indirect_dma source(%dma_start3A_106 : memref<10240x64xf32, #tpu.memory_space<hbm>>) target(%arg8 : memref<512x64xf32, #tpu.memory_space<vmem>>) offsets(%dma_start3A_103 : memref<512xi32, #tpu.memory_space<vmem>>) semaphore(%arg11 : memref<!tpu.dma_semaphore, #tpu.memory_space<semaphore_mem>>)
      %add3A_107 = arith.constant 1 : i32
      %add3A_108 = arith.addi %mul3A_92, %add3A_107 : i32
      %dma_wait3A_109 = arith.constant 0 : i32
      %dma_wait3A_110 = tpu.memref_slice %arg6[%add3A_108, %dma_wait3A_109] : memref<20x512xi32, #tpu.memory_space<vmem>> -> memref<1x512xi32, #tpu.memory_space<vmem>>
      %dma_wait3A_111 = tpu.memref_squeeze %dma_wait3A_110 : memref<1x512xi32, #tpu.memory_space<vmem>> -> memref<512xi32, #tpu.memory_space<vmem>>
      %dma_wait3A_112 = arith.constant 0 : i32
      %dma_wait3A_113 = arith.constant 0 : i32
      %dma_wait3A_114 = tpu.memref_slice %arg2[%dma_wait3A_112, %dma_wait3A_113] : memref<10240x64xf32, #tpu.memory_space<hbm>> -> memref<10240x64xf32, #tpu.memory_space<hbm>>
      tpu.wait_indirect_dma semaphore(%arg12 : memref<!tpu.dma_semaphore, #tpu.memory_space<semaphore_mem>>) src(%dma_wait3A_114 : memref<10240x64xf32, #tpu.memory_space<hbm>>) dst(%arg9 : memref<512x64xf32, #tpu.memory_space<vmem>>)
      %add3A_115 = arith.constant 1 : i32
      %add3A_116 = arith.addi %mul3A_92, %add3A_115 : i32
      "tpu.region"() ({
        %run_scoped3A_126 = tpu.sem_alloc : memref<!tpu.dma_semaphore, #tpu.memory_space<semaphore_mem>>
        %dma_start3A_127 = arith.constant 0 : i32
        %dma_start3A_128 = tpu.memref_slice %arg7[%add3A_116, %dma_start3A_127] : memref<20x512xi32, #tpu.memory_space<vmem>> -> memref<1x512xi32, #tpu.memory_space<vmem>>
        %dma_start3A_129 = tpu.memref_squeeze %dma_start3A_128 : memref<1x512xi32, #tpu.memory_space<vmem>> -> memref<512xi32, #tpu.memory_space<vmem>>
        %dma_start3A_130 = arith.constant 0 : i32
        %dma_start3A_131 = arith.constant 0 : i32
        %dma_start3A_132 = tpu.memref_slice %arg10[%dma_start3A_130, %dma_start3A_131] : memref<10240x64xf32, #tpu.memory_space<vmem_shared>> -> memref<10240x64xf32, #tpu.memory_space<vmem_shared>>
        tpu.enqueue_indirect_dma source(%arg9 : memref<512x64xf32, #tpu.memory_space<vmem>>) target(%dma_start3A_132 : memref<10240x64xf32, #tpu.memory_space<vmem_shared>>) offsets(%dma_start3A_129 : memref<512xi32, #tpu.memory_space<vmem>>) semaphore(%run_scoped3A_126 : memref<!tpu.dma_semaphore, #tpu.memory_space<semaphore_mem>>) {add = true}
        %dma_wait3A_133 = arith.constant 0 : i32
        %dma_wait3A_134 = tpu.memref_slice %arg7[%add3A_116, %dma_wait3A_133] : memref<20x512xi32, #tpu.memory_space<vmem>> -> memref<1x512xi32, #tpu.memory_space<vmem>>
        %dma_wait3A_135 = tpu.memref_squeeze %dma_wait3A_134 : memref<1x512xi32, #tpu.memory_space<vmem>> -> memref<512xi32, #tpu.memory_space<vmem>>
        %dma_wait3A_136 = arith.constant 0 : i32
        %dma_wait3A_137 = arith.constant 0 : i32
        %dma_wait3A_138 = tpu.memref_slice %arg10[%dma_wait3A_136, %dma_wait3A_137] : memref<10240x64xf32, #tpu.memory_space<vmem_shared>> -> memref<10240x64xf32, #tpu.memory_space<vmem_shared>>
        tpu.wait_indirect_dma semaphore(%run_scoped3A_126 : memref<!tpu.dma_semaphore, #tpu.memory_space<semaphore_mem>>) src(%arg9 : memref<512x64xf32, #tpu.memory_space<vmem>>) dst(%dma_wait3A_138 : memref<10240x64xf32, #tpu.memory_space<vmem_shared>>)
        tpu.yield
      }) : () -> ()
      %add3A_117 = arith.constant 3 : i32
      %add3A_118 = arith.addi %mul3A_92, %add3A_117 : i32
      %dma_start3A_119 = arith.constant 0 : i32
      %dma_start3A_120 = tpu.memref_slice %arg6[%add3A_118, %dma_start3A_119] : memref<20x512xi32, #tpu.memory_space<vmem>> -> memref<1x512xi32, #tpu.memory_space<vmem>>
      %dma_start3A_121 = tpu.memref_squeeze %dma_start3A_120 : memref<1x512xi32, #tpu.memory_space<vmem>> -> memref<512xi32, #tpu.memory_space<vmem>>
      %dma_start3A_122 = arith.constant 0 : i32
      %dma_start3A_123 = arith.constant 0 : i32
      %dma_start3A_124 = tpu.memref_slice %arg2[%dma_start3A_122, %dma_start3A_123] : memref<10240x64xf32, #tpu.memory_space<hbm>> -> memref<10240x64xf32, #tpu.memory_space<hbm>>
      tpu.enqueue_indirect_dma source(%dma_start3A_124 : memref<10240x64xf32, #tpu.memory_space<hbm>>) target(%arg9 : memref<512x64xf32, #tpu.memory_space<vmem>>) offsets(%dma_start3A_121 : memref<512xi32, #tpu.memory_space<vmem>>) semaphore(%arg12 : memref<!tpu.dma_semaphore, #tpu.memory_space<semaphore_mem>>)
      %scan3A_125 = arith.constant 0 : i32
      scf.yield %scan3A_125 : i32
    }
    %scan3A_58 = arith.constant 8 : i32
    %dma_wait3A = arith.constant 16 : i32
    %dma_wait3A_59 = arith.constant 0 : i32
    %dma_wait3A_60 = tpu.memref_slice %arg6[%dma_wait3A, %dma_wait3A_59] : memref<20x512xi32, #tpu.memory_space<vmem>> -> memref<1x512xi32, #tpu.memory_space<vmem>>
    %dma_wait3A_61 = tpu.memref_squeeze %dma_wait3A_60 : memref<1x512xi32, #tpu.memory_space<vmem>> -> memref<512xi32, #tpu.memory_space<vmem>>
    %dma_wait3A_62 = arith.constant 0 : i32
    %dma_wait3A_63 = arith.constant 0 : i32
    %dma_wait3A_64 = tpu.memref_slice %arg2[%dma_wait3A_62, %dma_wait3A_63] : memref<10240x64xf32, #tpu.memory_space<hbm>> -> memref<10240x64xf32, #tpu.memory_space<hbm>>
    tpu.wait_indirect_dma semaphore(%arg11 : memref<!tpu.dma_semaphore, #tpu.memory_space<semaphore_mem>>) src(%dma_wait3A_64 : memref<10240x64xf32, #tpu.memory_space<hbm>>) dst(%arg8 : memref<512x64xf32, #tpu.memory_space<vmem>>)
    %run_scoped3A = arith.constant 16 : i32
    "tpu.region"() ({
      %run_scoped3A_89 = tpu.sem_alloc : memref<!tpu.dma_semaphore, #tpu.memory_space<semaphore_mem>>
      %dma_start3A_90 = arith.constant 0 : i32
      %dma_start3A_91 = tpu.memref_slice %arg7[%run_scoped3A, %dma_start3A_90] : memref<20x512xi32, #tpu.memory_space<vmem>> -> memref<1x512xi32, #tpu.memory_space<vmem>>
      %dma_start3A_92 = tpu.memref_squeeze %dma_start3A_91 : memref<1x512xi32, #tpu.memory_space<vmem>> -> memref<512xi32, #tpu.memory_space<vmem>>
      %dma_start3A_93 = arith.constant 0 : i32
      %dma_start3A_94 = arith.constant 0 : i32
      %dma_start3A_95 = tpu.memref_slice %arg10[%dma_start3A_93, %dma_start3A_94] : memref<10240x64xf32, #tpu.memory_space<vmem_shared>> -> memref<10240x64xf32, #tpu.memory_space<vmem_shared>>
      tpu.enqueue_indirect_dma source(%arg8 : memref<512x64xf32, #tpu.memory_space<vmem>>) target(%dma_start3A_95 : memref<10240x64xf32, #tpu.memory_space<vmem_shared>>) offsets(%dma_start3A_92 : memref<512xi32, #tpu.memory_space<vmem>>) semaphore(%run_scoped3A_89 : memref<!tpu.dma_semaphore, #tpu.memory_space<semaphore_mem>>) {add = true}
      %dma_wait3A_96 = arith.constant 0 : i32
      %dma_wait3A_97 = tpu.memref_slice %arg7[%run_scoped3A, %dma_wait3A_96] : memref<20x512xi32, #tpu.memory_space<vmem>> -> memref<1x512xi32, #tpu.memory_space<vmem>>
      %dma_wait3A_98 = tpu.memref_squeeze %dma_wait3A_97 : memref<1x512xi32, #tpu.memory_space<vmem>> -> memref<512xi32, #tpu.memory_space<vmem>>
      %dma_wait3A_99 = arith.constant 0 : i32
      %dma_wait3A_100 = arith.constant 0 : i32
      %dma_wait3A_101 = tpu.memref_slice %arg10[%dma_wait3A_99, %dma_wait3A_100] : memref<10240x64xf32, #tpu.memory_space<vmem_shared>> -> memref<10240x64xf32, #tpu.memory_space<vmem_shared>>
      tpu.wait_indirect_dma semaphore(%run_scoped3A_89 : memref<!tpu.dma_semaphore, #tpu.memory_space<semaphore_mem>>) src(%arg8 : memref<512x64xf32, #tpu.memory_space<vmem>>) dst(%dma_wait3A_101 : memref<10240x64xf32, #tpu.memory_space<vmem_shared>>)
      tpu.yield
    }) : () -> ()
    %dma_wait3A_65 = arith.constant 17 : i32
    %dma_wait3A_66 = arith.constant 0 : i32
    %dma_wait3A_67 = tpu.memref_slice %arg6[%dma_wait3A_65, %dma_wait3A_66] : memref<20x512xi32, #tpu.memory_space<vmem>> -> memref<1x512xi32, #tpu.memory_space<vmem>>
    %dma_wait3A_68 = tpu.memref_squeeze %dma_wait3A_67 : memref<1x512xi32, #tpu.memory_space<vmem>> -> memref<512xi32, #tpu.memory_space<vmem>>
    %dma_wait3A_69 = arith.constant 0 : i32
    %dma_wait3A_70 = arith.constant 0 : i32
    %dma_wait3A_71 = tpu.memref_slice %arg2[%dma_wait3A_69, %dma_wait3A_70] : memref<10240x64xf32, #tpu.memory_space<hbm>> -> memref<10240x64xf32, #tpu.memory_space<hbm>>
    tpu.wait_indirect_dma semaphore(%arg12 : memref<!tpu.dma_semaphore, #tpu.memory_space<semaphore_mem>>) src(%dma_wait3A_71 : memref<10240x64xf32, #tpu.memory_space<hbm>>) dst(%arg9 : memref<512x64xf32, #tpu.memory_space<vmem>>)
    %run_scoped3A_72 = arith.constant 17 : i32
    "tpu.region"() ({
      %run_scoped3A_89 = tpu.sem_alloc : memref<!tpu.dma_semaphore, #tpu.memory_space<semaphore_mem>>
      %dma_start3A_90 = arith.constant 0 : i32
      %dma_start3A_91 = tpu.memref_slice %arg7[%run_scoped3A_72, %dma_start3A_90] : memref<20x512xi32, #tpu.memory_space<vmem>> -> memref<1x512xi32, #tpu.memory_space<vmem>>
      %dma_start3A_92 = tpu.memref_squeeze %dma_start3A_91 : memref<1x512xi32, #tpu.memory_space<vmem>> -> memref<512xi32, #tpu.memory_space<vmem>>
      %dma_start3A_93 = arith.constant 0 : i32
      %dma_start3A_94 = arith.constant 0 : i32
      %dma_start3A_95 = tpu.memref_slice %arg10[%dma_start3A_93, %dma_start3A_94] : memref<10240x64xf32, #tpu.memory_space<vmem_shared>> -> memref<10240x64xf32, #tpu.memory_space<vmem_shared>>
      tpu.enqueue_indirect_dma source(%arg9 : memref<512x64xf32, #tpu.memory_space<vmem>>) target(%dma_start3A_95 : memref<10240x64xf32, #tpu.memory_space<vmem_shared>>) offsets(%dma_start3A_92 : memref<512xi32, #tpu.memory_space<vmem>>) semaphore(%run_scoped3A_89 : memref<!tpu.dma_semaphore, #tpu.memory_space<semaphore_mem>>) {add = true}
      %dma_wait3A_96 = arith.constant 0 : i32
      %dma_wait3A_97 = tpu.memref_slice %arg7[%run_scoped3A_72, %dma_wait3A_96] : memref<20x512xi32, #tpu.memory_space<vmem>> -> memref<1x512xi32, #tpu.memory_space<vmem>>
      %dma_wait3A_98 = tpu.memref_squeeze %dma_wait3A_97 : memref<1x512xi32, #tpu.memory_space<vmem>> -> memref<512xi32, #tpu.memory_space<vmem>>
      %dma_wait3A_99 = arith.constant 0 : i32
      %dma_wait3A_100 = arith.constant 0 : i32
      %dma_wait3A_101 = tpu.memref_slice %arg10[%dma_wait3A_99, %dma_wait3A_100] : memref<10240x64xf32, #tpu.memory_space<vmem_shared>> -> memref<10240x64xf32, #tpu.memory_space<vmem_shared>>
      tpu.wait_indirect_dma semaphore(%run_scoped3A_89 : memref<!tpu.dma_semaphore, #tpu.memory_space<semaphore_mem>>) src(%arg9 : memref<512x64xf32, #tpu.memory_space<vmem>>) dst(%dma_wait3A_101 : memref<10240x64xf32, #tpu.memory_space<vmem_shared>>)
      tpu.yield
    }) : () -> ()
    %run_scoped3A_73 = arith.constant 18 : i32
    "tpu.region"() ({
      %run_scoped3A_89 = tpu.sem_alloc : memref<!tpu.dma_semaphore, #tpu.memory_space<semaphore_mem>>
      %dma_start3A_90 = arith.constant 0 : i32
      %dma_start3A_91 = tpu.memref_slice %arg6[%run_scoped3A_73, %dma_start3A_90] : memref<20x512xi32, #tpu.memory_space<vmem>> -> memref<1x512xi32, #tpu.memory_space<vmem>>
      %dma_start3A_92 = tpu.memref_squeeze %dma_start3A_91 : memref<1x512xi32, #tpu.memory_space<vmem>> -> memref<512xi32, #tpu.memory_space<vmem>>
      %dma_start3A_93 = arith.constant 0 : i32
      %dma_start3A_94 = arith.constant 0 : i32
      %dma_start3A_95 = tpu.memref_slice %arg2[%dma_start3A_93, %dma_start3A_94] : memref<10240x64xf32, #tpu.memory_space<hbm>> -> memref<10240x64xf32, #tpu.memory_space<hbm>>
      tpu.enqueue_indirect_dma source(%dma_start3A_95 : memref<10240x64xf32, #tpu.memory_space<hbm>>) target(%arg8 : memref<512x64xf32, #tpu.memory_space<vmem>>) offsets(%dma_start3A_92 : memref<512xi32, #tpu.memory_space<vmem>>) semaphore(%run_scoped3A_89 : memref<!tpu.dma_semaphore, #tpu.memory_space<semaphore_mem>>)
      %dma_wait3A_96 = arith.constant 0 : i32
      %dma_wait3A_97 = tpu.memref_slice %arg6[%run_scoped3A_73, %dma_wait3A_96] : memref<20x512xi32, #tpu.memory_space<vmem>> -> memref<1x512xi32, #tpu.memory_space<vmem>>
      %dma_wait3A_98 = tpu.memref_squeeze %dma_wait3A_97 : memref<1x512xi32, #tpu.memory_space<vmem>> -> memref<512xi32, #tpu.memory_space<vmem>>
      %dma_wait3A_99 = arith.constant 0 : i32
      %dma_wait3A_100 = arith.constant 0 : i32
      %dma_wait3A_101 = tpu.memref_slice %arg2[%dma_wait3A_99, %dma_wait3A_100] : memref<10240x64xf32, #tpu.memory_space<hbm>> -> memref<10240x64xf32, #tpu.memory_space<hbm>>
      tpu.wait_indirect_dma semaphore(%run_scoped3A_89 : memref<!tpu.dma_semaphore, #tpu.memory_space<semaphore_mem>>) src(%dma_wait3A_101 : memref<10240x64xf32, #tpu.memory_space<hbm>>) dst(%arg8 : memref<512x64xf32, #tpu.memory_space<vmem>>)
      tpu.yield
    }) : () -> ()
    %run_scoped3A_74 = arith.constant 18 : i32
    "tpu.region"() ({
      %run_scoped3A_89 = tpu.sem_alloc : memref<!tpu.dma_semaphore, #tpu.memory_space<semaphore_mem>>
      %dma_start3A_90 = arith.constant 0 : i32
      %dma_start3A_91 = tpu.memref_slice %arg7[%run_scoped3A_74, %dma_start3A_90] : memref<20x512xi32, #tpu.memory_space<vmem>> -> memref<1x512xi32, #tpu.memory_space<vmem>>
      %dma_start3A_92 = tpu.memref_squeeze %dma_start3A_91 : memref<1x512xi32, #tpu.memory_space<vmem>> -> memref<512xi32, #tpu.memory_space<vmem>>
      %dma_start3A_93 = arith.constant 0 : i32
      %dma_start3A_94 = arith.constant 0 : i32
      %dma_start3A_95 = tpu.memref_slice %arg10[%dma_start3A_93, %dma_start3A_94] : memref<10240x64xf32, #tpu.memory_space<vmem_shared>> -> memref<10240x64xf32, #tpu.memory_space<vmem_shared>>
      tpu.enqueue_indirect_dma source(%arg8 : memref<512x64xf32, #tpu.memory_space<vmem>>) target(%dma_start3A_95 : memref<10240x64xf32, #tpu.memory_space<vmem_shared>>) offsets(%dma_start3A_92 : memref<512xi32, #tpu.memory_space<vmem>>) semaphore(%run_scoped3A_89 : memref<!tpu.dma_semaphore, #tpu.memory_space<semaphore_mem>>) {add = true}
      %dma_wait3A_96 = arith.constant 0 : i32
      %dma_wait3A_97 = tpu.memref_slice %arg7[%run_scoped3A_74, %dma_wait3A_96] : memref<20x512xi32, #tpu.memory_space<vmem>> -> memref<1x512xi32, #tpu.memory_space<vmem>>
      %dma_wait3A_98 = tpu.memref_squeeze %dma_wait3A_97 : memref<1x512xi32, #tpu.memory_space<vmem>> -> memref<512xi32, #tpu.memory_space<vmem>>
      %dma_wait3A_99 = arith.constant 0 : i32
      %dma_wait3A_100 = arith.constant 0 : i32
      %dma_wait3A_101 = tpu.memref_slice %arg10[%dma_wait3A_99, %dma_wait3A_100] : memref<10240x64xf32, #tpu.memory_space<vmem_shared>> -> memref<10240x64xf32, #tpu.memory_space<vmem_shared>>
      tpu.wait_indirect_dma semaphore(%run_scoped3A_89 : memref<!tpu.dma_semaphore, #tpu.memory_space<semaphore_mem>>) src(%arg8 : memref<512x64xf32, #tpu.memory_space<vmem>>) dst(%dma_wait3A_101 : memref<10240x64xf32, #tpu.memory_space<vmem_shared>>)
      tpu.yield
    }) : () -> ()
    %lt3A_75 = arith.constant 17 : i32
    %lt3A_76 = arith.cmpi slt, %add3A, %lt3A_75 : i32
    %convert_element_type3A_77 = arith.extui %lt3A_76 : i1 to i32
    %cond3A_78 = arith.constant 0 : i32
    %cond3A_79 = arith.cmpi ne, %convert_element_type3A_77, %cond3A_78 : i32
    scf.if %cond3A_79 {
      %run_scoped3A_89 = arith.constant 19 : i32
      "tpu.region"() ({
        %run_scoped3A_91 = tpu.sem_alloc : memref<!tpu.dma_semaphore, #tpu.memory_space<semaphore_mem>>
        %dma_start3A_92 = arith.constant 0 : i32
        %dma_start3A_93 = tpu.memref_slice %arg6[%run_scoped3A_89, %dma_start3A_92] : memref<20x512xi32, #tpu.memory_space<vmem>> -> memref<1x512xi32, #tpu.memory_space<vmem>>
        %dma_start3A_94 = tpu.memref_squeeze %dma_start3A_93 : memref<1x512xi32, #tpu.memory_space<vmem>> -> memref<512xi32, #tpu.memory_space<vmem>>
        %dma_start3A_95 = arith.constant 0 : i32
        %dma_start3A_96 = arith.constant 0 : i32
        %dma_start3A_97 = tpu.memref_slice %arg2[%dma_start3A_95, %dma_start3A_96] : memref<10240x64xf32, #tpu.memory_space<hbm>> -> memref<10240x64xf32, #tpu.memory_space<hbm>>
        tpu.enqueue_indirect_dma source(%dma_start3A_97 : memref<10240x64xf32, #tpu.memory_space<hbm>>) target(%arg9 : memref<512x64xf32, #tpu.memory_space<vmem>>) offsets(%dma_start3A_94 : memref<512xi32, #tpu.memory_space<vmem>>) semaphore(%run_scoped3A_91 : memref<!tpu.dma_semaphore, #tpu.memory_space<semaphore_mem>>)
        %dma_wait3A_98 = arith.constant 0 : i32
        %dma_wait3A_99 = tpu.memref_slice %arg6[%run_scoped3A_89, %dma_wait3A_98] : memref<20x512xi32, #tpu.memory_space<vmem>> -> memref<1x512xi32, #tpu.memory_space<vmem>>
        %dma_wait3A_100 = tpu.memref_squeeze %dma_wait3A_99 : memref<1x512xi32, #tpu.memory_space<vmem>> -> memref<512xi32, #tpu.memory_space<vmem>>
        %dma_wait3A_101 = arith.constant 0 : i32
        %dma_wait3A_102 = arith.constant 0 : i32
        %dma_wait3A_103 = tpu.memref_slice %arg2[%dma_wait3A_101, %dma_wait3A_102] : memref<10240x64xf32, #tpu.memory_space<hbm>> -> memref<10240x64xf32, #tpu.memory_space<hbm>>
        tpu.wait_indirect_dma semaphore(%run_scoped3A_91 : memref<!tpu.dma_semaphore, #tpu.memory_space<semaphore_mem>>) src(%dma_wait3A_103 : memref<10240x64xf32, #tpu.memory_space<hbm>>) dst(%arg9 : memref<512x64xf32, #tpu.memory_space<vmem>>)
        tpu.yield
      }) : () -> ()
      %run_scoped3A_90 = arith.constant 19 : i32
      "tpu.region"() ({
        %run_scoped3A_91 = tpu.sem_alloc : memref<!tpu.dma_semaphore, #tpu.memory_space<semaphore_mem>>
        %dma_start3A_92 = arith.constant 0 : i32
        %dma_start3A_93 = tpu.memref_slice %arg7[%run_scoped3A_90, %dma_start3A_92] : memref<20x512xi32, #tpu.memory_space<vmem>> -> memref<1x512xi32, #tpu.memory_space<vmem>>
        %dma_start3A_94 = tpu.memref_squeeze %dma_start3A_93 : memref<1x512xi32, #tpu.memory_space<vmem>> -> memref<512xi32, #tpu.memory_space<vmem>>
        %dma_start3A_95 = arith.constant 0 : i32
        %dma_start3A_96 = arith.constant 0 : i32
        %dma_start3A_97 = tpu.memref_slice %arg10[%dma_start3A_95, %dma_start3A_96] : memref<10240x64xf32, #tpu.memory_space<vmem_shared>> -> memref<10240x64xf32, #tpu.memory_space<vmem_shared>>
        tpu.enqueue_indirect_dma source(%arg9 : memref<512x64xf32, #tpu.memory_space<vmem>>) target(%dma_start3A_97 : memref<10240x64xf32, #tpu.memory_space<vmem_shared>>) offsets(%dma_start3A_94 : memref<512xi32, #tpu.memory_space<vmem>>) semaphore(%run_scoped3A_91 : memref<!tpu.dma_semaphore, #tpu.memory_space<semaphore_mem>>) {add = true}
        %dma_wait3A_98 = arith.constant 0 : i32
        %dma_wait3A_99 = tpu.memref_slice %arg7[%run_scoped3A_90, %dma_wait3A_98] : memref<20x512xi32, #tpu.memory_space<vmem>> -> memref<1x512xi32, #tpu.memory_space<vmem>>
        %dma_wait3A_100 = tpu.memref_squeeze %dma_wait3A_99 : memref<1x512xi32, #tpu.memory_space<vmem>> -> memref<512xi32, #tpu.memory_space<vmem>>
        %dma_wait3A_101 = arith.constant 0 : i32
        %dma_wait3A_102 = arith.constant 0 : i32
        %dma_wait3A_103 = tpu.memref_slice %arg10[%dma_wait3A_101, %dma_wait3A_102] : memref<10240x64xf32, #tpu.memory_space<vmem_shared>> -> memref<10240x64xf32, #tpu.memory_space<vmem_shared>>
        tpu.wait_indirect_dma semaphore(%run_scoped3A_91 : memref<!tpu.dma_semaphore, #tpu.memory_space<semaphore_mem>>) src(%arg9 : memref<512x64xf32, #tpu.memory_space<vmem>>) dst(%dma_wait3A_103 : memref<10240x64xf32, #tpu.memory_space<vmem_shared>>)
        tpu.yield
      }) : () -> ()
    } else {
    }
    %barrier3A_80 = arith.constant 0 : index
    tpu.barrier barrier_id(%barrier3A_80)
    %mul3A_81 = arith.constant 640 : i32
    %mul3A_82 = arith.muli %arg1, %mul3A_81 : i32
    %add3A_83 = arith.constant 0 : i32
    %add3A_84 = arith.addi %mul3A_82, %add3A_83 : i32
    "tpu.region"() ({
      %run_scoped3A_89 = tpu.sem_alloc : memref<!tpu.dma_semaphore, #tpu.memory_space<semaphore_mem>>
      %dma_start3A_90 = arith.constant 0 : i32
      %dma_start3A_91 = arith.constant 0 : i32
      %dma_start3A_92 = tpu.memref_slice %arg8[%dma_start3A_90, %dma_start3A_91] : memref<512x64xf32, #tpu.memory_space<vmem>> -> memref<512x64xf32, #tpu.memory_space<vmem>>
      %dma_start3A_93 = arith.constant 0 : i32
      %dma_start3A_94 = tpu.memref_slice %arg10[%add3A_84, %dma_start3A_93] : memref<10240x64xf32, #tpu.memory_space<vmem_shared>> -> memref<512x64xf32, #tpu.memory_space<vmem_shared>>
      %dma_start3A_95 = arith.constant 0 : i32
      %dma_start3A_96 = arith.constant 0 : i32
      %dma_start3A_97 = tpu.memref_slice %arg8[%dma_start3A_95, %dma_start3A_96] : memref<512x64xf32, #tpu.memory_space<vmem>> -> memref<512x64xf32, #tpu.memory_space<vmem>>
      %dma_start3A_98 = arith.constant 0 : i32
      %dma_start3A_99 = tpu.memref_slice %arg10[%add3A_84, %dma_start3A_98] : memref<10240x64xf32, #tpu.memory_space<vmem_shared>> -> memref<512x64xf32, #tpu.memory_space<vmem_shared>>
      tpu.enqueue_dma source(%dma_start3A_99 : memref<512x64xf32, #tpu.memory_space<vmem_shared>>) target(%dma_start3A_97 : memref<512x64xf32, #tpu.memory_space<vmem>>) target_semaphore(%run_scoped3A_89 : memref<!tpu.dma_semaphore, #tpu.memory_space<semaphore_mem>>)
      %dma_wait3A_100 = arith.constant 0 : i32
      %dma_wait3A_101 = arith.constant 0 : i32
      %dma_wait3A_102 = tpu.memref_slice %arg8[%dma_wait3A_100, %dma_wait3A_101] : memref<512x64xf32, #tpu.memory_space<vmem>> -> memref<512x64xf32, #tpu.memory_space<vmem>>
      %dma_wait3A_103 = arith.constant 0 : i32
      %dma_wait3A_104 = tpu.memref_slice %arg10[%add3A_84, %dma_wait3A_103] : memref<10240x64xf32, #tpu.memory_space<vmem_shared>> -> memref<512x64xf32, #tpu.memory_space<vmem_shared>>
      %dma_wait3A_105 = arith.constant 0 : i32
      %dma_wait3A_106 = arith.constant 0 : i32
      %dma_wait3A_107 = tpu.memref_slice %arg8[%dma_wait3A_105, %dma_wait3A_106] : memref<512x64xf32, #tpu.memory_space<vmem>> -> memref<512x64xf32, #tpu.memory_space<vmem>>
      %dma_wait3A_108 = arith.constant 0 : i32
      %dma_wait3A_109 = tpu.memref_slice %arg10[%add3A_84, %dma_wait3A_108] : memref<10240x64xf32, #tpu.memory_space<vmem_shared>> -> memref<512x64xf32, #tpu.memory_space<vmem_shared>>
      tpu.wait_dma2 semaphore(%run_scoped3A_89 : memref<!tpu.dma_semaphore, #tpu.memory_space<semaphore_mem>>) src(%dma_wait3A_109 : memref<512x64xf32, #tpu.memory_space<vmem_shared>>) dst(%dma_wait3A_107 : memref<512x64xf32, #tpu.memory_space<vmem>>)
      tpu.yield
    }) : () -> ()
    "tpu.region"() ({
      %run_scoped3A_89 = tpu.sem_alloc : memref<!tpu.dma_semaphore, #tpu.memory_space<semaphore_mem>>
      %dma_start3A_90 = arith.constant 0 : i32
      %dma_start3A_91 = arith.constant 0 : i32
      %dma_start3A_92 = tpu.memref_slice %arg8[%dma_start3A_90, %dma_start3A_91] : memref<512x64xf32, #tpu.memory_space<vmem>> -> memref<512x64xf32, #tpu.memory_space<vmem>>
      %dma_start3A_93 = arith.constant 0 : i32
      %dma_start3A_94 = tpu.memref_slice %arg5[%arg0, %add3A_84, %dma_start3A_93] : memref<2x10240x64xf32, #tpu.memory_space<hbm>> -> memref<1x512x64xf32, #tpu.memory_space<hbm>>
      %dma_start3A_95 = tpu.memref_squeeze %dma_start3A_94 : memref<1x512x64xf32, #tpu.memory_space<hbm>> -> memref<512x64xf32, #tpu.memory_space<hbm>>
      %dma_start3A_96 = arith.constant 0 : i32
      %dma_start3A_97 = tpu.memref_slice %arg5[%arg0, %add3A_84, %dma_start3A_96] : memref<2x10240x64xf32, #tpu.memory_space<hbm>> -> memref<1x512x64xf32, #tpu.memory_space<hbm>>
      %dma_start3A_98 = tpu.memref_squeeze %dma_start3A_97 : memref<1x512x64xf32, #tpu.memory_space<hbm>> -> memref<512x64xf32, #tpu.memory_space<hbm>>
      %dma_start3A_99 = arith.constant 0 : i32
      %dma_start3A_100 = arith.constant 0 : i32
      %dma_start3A_101 = tpu.memref_slice %arg8[%dma_start3A_99, %dma_start3A_100] : memref<512x64xf32, #tpu.memory_space<vmem>> -> memref<512x64xf32, #tpu.memory_space<vmem>>
      tpu.enqueue_dma source(%dma_start3A_101 : memref<512x64xf32, #tpu.memory_space<vmem>>) target(%dma_start3A_98 : memref<512x64xf32, #tpu.memory_space<hbm>>) target_semaphore(%run_scoped3A_89 : memref<!tpu.dma_semaphore, #tpu.memory_space<semaphore_mem>>)
      %dma_wait3A_102 = arith.constant 0 : i32
      %dma_wait3A_103 = arith.constant 0 : i32
      %dma_wait3A_104 = tpu.memref_slice %arg8[%dma_wait3A_102, %dma_wait3A_103] : memref<512x64xf32, #tpu.memory_space<vmem>> -> memref<512x64xf32, #tpu.memory_space<vmem>>
      %dma_wait3A_105 = arith.constant 0 : i32
      %dma_wait3A_106 = tpu.memref_slice %arg5[%arg0, %add3A_84, %dma_wait3A_105] : memref<2x10240x64xf32, #tpu.memory_space<hbm>> -> memref<1x512x64xf32, #tpu.memory_space<hbm>>
      %dma_wait3A_107 = tpu.memref_squeeze %dma_wait3A_106 : memref<1x512x64xf32, #tpu.memory_space<hbm>> -> memref<512x64xf32, #tpu.memory_space<hbm>>
      %dma_wait3A_108 = arith.constant 0 : i32
      %dma_wait3A_109 = tpu.memref_slice %arg5[%arg0, %add3A_84, %dma_wait3A_108] : memref<2x10240x64xf32, #tpu.memory_space<hbm>> -> memref<1x512x64xf32, #tpu.memory_space<hbm>>
      %dma_wait3A_110 = tpu.memref_squeeze %dma_wait3A_109 : memref<1x512x64xf32, #tpu.memory_space<hbm>> -> memref<512x64xf32, #tpu.memory_space<hbm>>
      %dma_wait3A_111 = arith.constant 0 : i32
      %dma_wait3A_112 = arith.constant 0 : i32
      %dma_wait3A_113 = tpu.memref_slice %arg8[%dma_wait3A_111, %dma_wait3A_112] : memref<512x64xf32, #tpu.memory_space<vmem>> -> memref<512x64xf32, #tpu.memory_space<vmem>>
      tpu.wait_dma2 semaphore(%run_scoped3A_89 : memref<!tpu.dma_semaphore, #tpu.memory_space<semaphore_mem>>) src(%dma_wait3A_113 : memref<512x64xf32, #tpu.memory_space<vmem>>) dst(%dma_wait3A_110 : memref<512x64xf32, #tpu.memory_space<hbm>>)
      tpu.yield
    }) : () -> ()
    %mul3A_85 = arith.constant 640 : i32
    %mul3A_86 = arith.muli %arg1, %mul3A_85 : i32
    %add3A_87 = arith.constant 512 : i32
    %add3A_88 = arith.addi %mul3A_86, %add3A_87 : i32
    "tpu.region"() ({
      %run_scoped3A_89 = tpu.sem_alloc : memref<!tpu.dma_semaphore, #tpu.memory_space<semaphore_mem>>
      %dma_start3A_90 = arith.constant 0 : i32
      %dma_start3A_91 = arith.constant 0 : i32
      %dma_start3A_92 = tpu.memref_slice %arg8[%dma_start3A_90, %dma_start3A_91] : memref<512x64xf32, #tpu.memory_space<vmem>> -> memref<128x64xf32, #tpu.memory_space<vmem>>
      %dma_start3A_93 = arith.constant 0 : i32
      %dma_start3A_94 = tpu.memref_slice %arg10[%add3A_88, %dma_start3A_93] : memref<10240x64xf32, #tpu.memory_space<vmem_shared>> -> memref<128x64xf32, #tpu.memory_space<vmem_shared>>
      %dma_start3A_95 = arith.constant 0 : i32
      %dma_start3A_96 = arith.constant 0 : i32
      %dma_start3A_97 = tpu.memref_slice %arg8[%dma_start3A_95, %dma_start3A_96] : memref<512x64xf32, #tpu.memory_space<vmem>> -> memref<128x64xf32, #tpu.memory_space<vmem>>
      %dma_start3A_98 = arith.constant 0 : i32
      %dma_start3A_99 = tpu.memref_slice %arg10[%add3A_88, %dma_start3A_98] : memref<10240x64xf32, #tpu.memory_space<vmem_shared>> -> memref<128x64xf32, #tpu.memory_space<vmem_shared>>
      tpu.enqueue_dma source(%dma_start3A_99 : memref<128x64xf32, #tpu.memory_space<vmem_shared>>) target(%dma_start3A_97 : memref<128x64xf32, #tpu.memory_space<vmem>>) target_semaphore(%run_scoped3A_89 : memref<!tpu.dma_semaphore, #tpu.memory_space<semaphore_mem>>)
      %dma_wait3A_100 = arith.constant 0 : i32
      %dma_wait3A_101 = arith.constant 0 : i32
      %dma_wait3A_102 = tpu.memref_slice %arg8[%dma_wait3A_100, %dma_wait3A_101] : memref<512x64xf32, #tpu.memory_space<vmem>> -> memref<128x64xf32, #tpu.memory_space<vmem>>
      %dma_wait3A_103 = arith.constant 0 : i32
      %dma_wait3A_104 = tpu.memref_slice %arg10[%add3A_88, %dma_wait3A_103] : memref<10240x64xf32, #tpu.memory_space<vmem_shared>> -> memref<128x64xf32, #tpu.memory_space<vmem_shared>>
      %dma_wait3A_105 = arith.constant 0 : i32
      %dma_wait3A_106 = arith.constant 0 : i32
      %dma_wait3A_107 = tpu.memref_slice %arg8[%dma_wait3A_105, %dma_wait3A_106] : memref<512x64xf32, #tpu.memory_space<vmem>> -> memref<128x64xf32, #tpu.memory_space<vmem>>
      %dma_wait3A_108 = arith.constant 0 : i32
      %dma_wait3A_109 = tpu.memref_slice %arg10[%add3A_88, %dma_wait3A_108] : memref<10240x64xf32, #tpu.memory_space<vmem_shared>> -> memref<128x64xf32, #tpu.memory_space<vmem_shared>>
      tpu.wait_dma2 semaphore(%run_scoped3A_89 : memref<!tpu.dma_semaphore, #tpu.memory_space<semaphore_mem>>) src(%dma_wait3A_109 : memref<128x64xf32, #tpu.memory_space<vmem_shared>>) dst(%dma_wait3A_107 : memref<128x64xf32, #tpu.memory_space<vmem>>)
      tpu.yield
    }) : () -> ()
    "tpu.region"() ({
      %run_scoped3A_89 = tpu.sem_alloc : memref<!tpu.dma_semaphore, #tpu.memory_space<semaphore_mem>>
      %dma_start3A_90 = arith.constant 0 : i32
      %dma_start3A_91 = arith.constant 0 : i32
      %dma_start3A_92 = tpu.memref_slice %arg8[%dma_start3A_90, %dma_start3A_91] : memref<512x64xf32, #tpu.memory_space<vmem>> -> memref<128x64xf32, #tpu.memory_space<vmem>>
      %dma_start3A_93 = arith.constant 0 : i32
      %dma_start3A_94 = tpu.memref_slice %arg5[%arg0, %add3A_88, %dma_start3A_93] : memref<2x10240x64xf32, #tpu.memory_space<hbm>> -> memref<1x128x64xf32, #tpu.memory_space<hbm>>
      %dma_start3A_95 = tpu.memref_squeeze %dma_start3A_94 : memref<1x128x64xf32, #tpu.memory_space<hbm>> -> memref<128x64xf32, #tpu.memory_space<hbm>>
      %dma_start3A_96 = arith.constant 0 : i32
      %dma_start3A_97 = tpu.memref_slice %arg5[%arg0, %add3A_88, %dma_start3A_96] : memref<2x10240x64xf32, #tpu.memory_space<hbm>> -> memref<1x128x64xf32, #tpu.memory_space<hbm>>
      %dma_start3A_98 = tpu.memref_squeeze %dma_start3A_97 : memref<1x128x64xf32, #tpu.memory_space<hbm>> -> memref<128x64xf32, #tpu.memory_space<hbm>>
      %dma_start3A_99 = arith.constant 0 : i32
      %dma_start3A_100 = arith.constant 0 : i32
      %dma_start3A_101 = tpu.memref_slice %arg8[%dma_start3A_99, %dma_start3A_100] : memref<512x64xf32, #tpu.memory_space<vmem>> -> memref<128x64xf32, #tpu.memory_space<vmem>>
      tpu.enqueue_dma source(%dma_start3A_101 : memref<128x64xf32, #tpu.memory_space<vmem>>) target(%dma_start3A_98 : memref<128x64xf32, #tpu.memory_space<hbm>>) target_semaphore(%run_scoped3A_89 : memref<!tpu.dma_semaphore, #tpu.memory_space<semaphore_mem>>)
      %dma_wait3A_102 = arith.constant 0 : i32
      %dma_wait3A_103 = arith.constant 0 : i32
      %dma_wait3A_104 = tpu.memref_slice %arg8[%dma_wait3A_102, %dma_wait3A_103] : memref<512x64xf32, #tpu.memory_space<vmem>> -> memref<128x64xf32, #tpu.memory_space<vmem>>
      %dma_wait3A_105 = arith.constant 0 : i32
      %dma_wait3A_106 = tpu.memref_slice %arg5[%arg0, %add3A_88, %dma_wait3A_105] : memref<2x10240x64xf32, #tpu.memory_space<hbm>> -> memref<1x128x64xf32, #tpu.memory_space<hbm>>
      %dma_wait3A_107 = tpu.memref_squeeze %dma_wait3A_106 : memref<1x128x64xf32, #tpu.memory_space<hbm>> -> memref<128x64xf32, #tpu.memory_space<hbm>>
      %dma_wait3A_108 = arith.constant 0 : i32
      %dma_wait3A_109 = tpu.memref_slice %arg5[%arg0, %add3A_88, %dma_wait3A_108] : memref<2x10240x64xf32, #tpu.memory_space<hbm>> -> memref<1x128x64xf32, #tpu.memory_space<hbm>>
      %dma_wait3A_110 = tpu.memref_squeeze %dma_wait3A_109 : memref<1x128x64xf32, #tpu.memory_space<hbm>> -> memref<128x64xf32, #tpu.memory_space<hbm>>
      %dma_wait3A_111 = arith.constant 0 : i32
      %dma_wait3A_112 = arith.constant 0 : i32
      %dma_wait3A_113 = tpu.memref_slice %arg8[%dma_wait3A_111, %dma_wait3A_112] : memref<512x64xf32, #tpu.memory_space<vmem>> -> memref<128x64xf32, #tpu.memory_space<vmem>>
      tpu.wait_dma2 semaphore(%run_scoped3A_89 : memref<!tpu.dma_semaphore, #tpu.memory_space<semaphore_mem>>) src(%dma_wait3A_113 : memref<128x64xf32, #tpu.memory_space<vmem>>) dst(%dma_wait3A_110 : memref<128x64xf32, #tpu.memory_space<hbm>>)
      tpu.yield
    }) : () -> ()
    return
  }
}

module attributes {stable_mosaic.version = 14 : i64} {
  func.func @body(%arg0: i32, %arg1: memref<2000x128xf32, #tpu.memory_space<vmem>>, %arg2: memref<128x64xf32, #tpu.memory_space<vmem>>, %arg3: memref<2000x1xf32, #tpu.memory_space<vmem>>, %arg4: memref<2000x64xf32, #tpu.memory_space<vmem>>) attributes {dimension_semantics = [#tpu.dimension_semantics<arbitrary>], iteration_bounds = array<i64: 5>, scalar_prefetch = 0 : i64, scratch_operands = 0 : i64, tpu.core_type = #tpu.core_type<tc>, window_params = [{transform_indices = @transform_0, window_bounds = array<i64: 2000, 128>}, {pipeline_mode = #tpu.pipeline_mode<synchronous>, transform_indices = @transform_1, window_bounds = array<i64: 128, 64>}, {transform_indices = @transform_2, window_bounds = array<i64: 2000, 1>}, {transform_indices = @transform_3, window_bounds = array<i64: 2000, 64>}]} {
    %get3A = arith.constant 0 : index
    %get3A_0 = arith.constant 0 : index
    %get3A_1 = vector.load %arg3[%get3A, %get3A_0] : memref<2000x1xf32, #tpu.memory_space<vmem>>, vector<2000x1xf32>
    %rsqrt3A = math.rsqrt %get3A_1 : vector<2000x1xf32>
    %get3A_2 = arith.constant 0 : index
    %get3A_3 = arith.constant 0 : index
    %get3A_4 = vector.load %arg1[%get3A_2, %get3A_3] : memref<2000x128xf32, #tpu.memory_space<vmem>>, vector<2000x128xf32>
    %get3A_5 = arith.constant 0 : index
    %get3A_6 = arith.constant 0 : index
    %get3A_7 = vector.load %arg2[%get3A_5, %get3A_6] : memref<128x64xf32, #tpu.memory_space<vmem>>, vector<128x64xf32>
    %dot_general3A = arith.constant dense<0.000000e+00> : vector<2000x64xf32>
    %dot_general3A_8 = tpu.matmul %get3A_4, %get3A_7, %dot_general3A {dimension_numbers = #tpu.dot_dimension_numbers<[1], [0], [0], [1], [0, 0, 1, 1], [], []>, transpose_lhs_hint = false} : vector<2000x128xf32>, vector<128x64xf32>, vector<2000x64xf32> -> vector<2000x64xf32>
    %mul3A = vector.broadcast %rsqrt3A : vector<2000x1xf32> to vector<2000x64xf32>
    %mul3A_9 = arith.mulf %dot_general3A_8, %mul3A : vector<2000x64xf32>
    %swap3A = arith.constant 0 : index
    %swap3A_10 = arith.constant 0 : index
    %swap3A_11 = vector.load %arg4[%swap3A, %swap3A_10] : memref<2000x64xf32, #tpu.memory_space<vmem>>, vector<2000x64xf32>
    tpu.vector_store %arg4[%swap3A, %swap3A_10], %mul3A_9 {strides = array<i32>} : memref<2000x64xf32, #tpu.memory_space<vmem>>, vector<2000x64xf32>,
    return
  }
  func.func @transform_0(%arg0: i32) -> (i32, i32) {
    %c0_i32 = arith.constant 0 : i32
    %c0_i32_0 = arith.constant 0 : i32
    return %arg0, %c0_i32 : i32, i32
  }
  func.func @transform_1(%arg0: i32) -> (i32, i32) {
    %c0_i32 = arith.constant 0 : i32
    %c0_i32_0 = arith.constant 0 : i32
    %c0_i32_1 = arith.constant 0 : i32
    return %c0_i32, %c0_i32_0 : i32, i32
  }
  func.func @transform_2(%arg0: i32) -> (i32, i32) {
    %c0_i32 = arith.constant 0 : i32
    %c0_i32_0 = arith.constant 0 : i32
    return %arg0, %c0_i32 : i32, i32
  }
  func.func @transform_3(%arg0: i32) -> (i32, i32) {
    %c0_i32 = arith.constant 0 : i32
    %c0_i32_0 = arith.constant 0 : i32
    return %arg0, %c0_i32 : i32, i32
  }
}

module attributes {stable_mosaic.version = 14 : i64} {
  func.func @body(%arg0: i32, %arg1: memref<2x1000x128xf32, #tpu.memory_space<vmem>>, %arg2: memref<1000x2xf32, #tpu.memory_space<vmem>>, %arg3: memref<1x128xf32, #tpu.memory_space<vmem>>, %arg4: memref<1000x128xf32, #tpu.memory_space<vmem>>) attributes {dimension_semantics = [#tpu.dimension_semantics<arbitrary>], iteration_bounds = array<i64: 5>, scalar_prefetch = 0 : i64, scratch_operands = 0 : i64, tpu.core_type = #tpu.core_type<tc>, window_params = [{transform_indices = @transform_0, window_bounds = array<i64: 2, 1000, 128>}, {transform_indices = @transform_1, window_bounds = array<i64: 1000, 2>}, {pipeline_mode = #tpu.pipeline_mode<synchronous>, transform_indices = @transform_2, window_bounds = array<i64: 1, 128>}, {transform_indices = @transform_3, window_bounds = array<i64: 1000, 128>}]} {
    %get3A = arith.constant 0 : index
    %get3A_0 = arith.constant 0 : index
    %get3A_1 = arith.constant 0 : index
    %get3A_2 = vector.load %arg1[%get3A, %get3A_0, %get3A_1] : memref<2x1000x128xf32, #tpu.memory_space<vmem>>, vector<1x1000x128xf32>
    %get3A_3 = vector.shape_cast %get3A_2 : vector<1x1000x128xf32> to vector<1000x128xf32>
    %get3A_4 = arith.constant 1 : index
    %get3A_5 = arith.constant 0 : index
    %get3A_6 = arith.constant 0 : index
    %get3A_7 = vector.load %arg1[%get3A_4, %get3A_5, %get3A_6] : memref<2x1000x128xf32, #tpu.memory_space<vmem>>, vector<1x1000x128xf32>
    %get3A_8 = vector.shape_cast %get3A_7 : vector<1x1000x128xf32> to vector<1000x128xf32>
    %add3A = arith.addf %get3A_3, %get3A_8 : vector<1000x128xf32>
    %get3A_9 = arith.constant 0 : index
    %get3A_10 = arith.constant 0 : index
    %get3A_11 = vector.load %arg2[%get3A_9, %get3A_10] : memref<1000x2xf32, #tpu.memory_space<vmem>>, vector<1000x2xf32>
    %rsqrt3A = math.rsqrt %get3A_11 : vector<1000x2xf32>
    %slice3A = vector.extract_strided_slice %rsqrt3A {offsets = [0, 0], sizes = [1000, 1], strides = [1, 1]} : vector<1000x2xf32> to vector<1000x1xf32>
    %broadcast_in_dim3A = vector.shape_cast %slice3A : vector<1000x1xf32> to vector<1000x1xf32>
    %broadcast_in_dim3A_12 = vector.broadcast %broadcast_in_dim3A : vector<1000x1xf32> to vector<1000x64xf32>
    %slice3A_13 = vector.extract_strided_slice %rsqrt3A {offsets = [0, 1], sizes = [1000, 1], strides = [1, 1]} : vector<1000x2xf32> to vector<1000x1xf32>
    %broadcast_in_dim3A_14 = vector.shape_cast %slice3A_13 : vector<1000x1xf32> to vector<1000x1xf32>
    %broadcast_in_dim3A_15 = vector.broadcast %broadcast_in_dim3A_14 : vector<1000x1xf32> to vector<1000x64xf32>
    %concatenate3A = tpu.concatenate %broadcast_in_dim3A_12, %broadcast_in_dim3A_15 in 1 : vector<1000x64xf32>, vector<1000x64xf32> -> vector<1000x128xf32>
    %mul3A = arith.mulf %add3A, %concatenate3A : vector<1000x128xf32>
    %get3A_16 = arith.constant 0 : index
    %get3A_17 = arith.constant 0 : index
    %get3A_18 = vector.load %arg3[%get3A_16, %get3A_17] : memref<1x128xf32, #tpu.memory_space<vmem>>, vector<1x128xf32>
    %add3A_19 = vector.broadcast %get3A_18 : vector<1x128xf32> to vector<1000x128xf32>
    %add3A_20 = arith.addf %mul3A, %add3A_19 : vector<1000x128xf32>
    %slice3A_21 = vector.extract_strided_slice %add3A_20 {offsets = [0, 0], sizes = [1000, 64], strides = [1, 1]} : vector<1000x128xf32> to vector<1000x64xf32>
    %slice3A_22 = vector.extract_strided_slice %add3A_20 {offsets = [0, 64], sizes = [1000, 64], strides = [1, 1]} : vector<1000x128xf32> to vector<1000x64xf32>
    %reduce_max3A = arith.constant dense<0xFF800000> : vector<1000xf32>
    %reduce_max3A_23 = vector.multi_reduction <maximumf>, %slice3A_21, %reduce_max3A [1] : vector<1000x64xf32> to vector<1000xf32>
    %broadcast_in_dim3A_24 = vector.shape_cast %reduce_max3A_23 : vector<1000xf32> to vector<1000x1xf32>
    %sub3A = vector.broadcast %broadcast_in_dim3A_24 : vector<1000x1xf32> to vector<1000x64xf32>
    %sub3A_25 = arith.subf %slice3A_21, %sub3A : vector<1000x64xf32>
    %exp3A = math.exp %sub3A_25 : vector<1000x64xf32>
    %sub3A_26 = vector.broadcast %broadcast_in_dim3A_24 : vector<1000x1xf32> to vector<1000x64xf32>
    %sub3A_27 = arith.subf %slice3A_21, %sub3A_26 : vector<1000x64xf32>
    %reduce_sum3A = arith.constant dense<0.000000e+00> : vector<1000xf32>
    %reduce_sum3A_28 = vector.multi_reduction <add>, %exp3A, %reduce_sum3A [1] : vector<1000x64xf32> to vector<1000xf32>
    %broadcast_in_dim3A_29 = vector.shape_cast %reduce_sum3A_28 : vector<1000xf32> to vector<1000x1xf32>
    %log3A = math.log %broadcast_in_dim3A_29 : vector<1000x1xf32>
    %sub3A_30 = vector.broadcast %log3A : vector<1000x1xf32> to vector<1000x64xf32>
    %sub3A_31 = arith.subf %sub3A_27, %sub3A_30 : vector<1000x64xf32>
    %reduce_max3A_32 = arith.constant dense<0xFF800000> : vector<1000xf32>
    %reduce_max3A_33 = vector.multi_reduction <maximumf>, %slice3A_22, %reduce_max3A_32 [1] : vector<1000x64xf32> to vector<1000xf32>
    %broadcast_in_dim3A_34 = vector.shape_cast %reduce_max3A_33 : vector<1000xf32> to vector<1000x1xf32>
    %sub3A_35 = vector.broadcast %broadcast_in_dim3A_34 : vector<1000x1xf32> to vector<1000x64xf32>
    %sub3A_36 = arith.subf %slice3A_22, %sub3A_35 : vector<1000x64xf32>
    %exp3A_37 = math.exp %sub3A_36 : vector<1000x64xf32>
    %sub3A_38 = vector.broadcast %broadcast_in_dim3A_34 : vector<1000x1xf32> to vector<1000x64xf32>
    %sub3A_39 = arith.subf %slice3A_22, %sub3A_38 : vector<1000x64xf32>
    %reduce_sum3A_40 = arith.constant dense<0.000000e+00> : vector<1000xf32>
    %reduce_sum3A_41 = vector.multi_reduction <add>, %exp3A_37, %reduce_sum3A_40 [1] : vector<1000x64xf32> to vector<1000xf32>
    %broadcast_in_dim3A_42 = vector.shape_cast %reduce_sum3A_41 : vector<1000xf32> to vector<1000x1xf32>
    %log3A_43 = math.log %broadcast_in_dim3A_42 : vector<1000x1xf32>
    %sub3A_44 = vector.broadcast %log3A_43 : vector<1000x1xf32> to vector<1000x64xf32>
    %sub3A_45 = arith.subf %sub3A_39, %sub3A_44 : vector<1000x64xf32>
    %concatenate3A_46 = tpu.concatenate %sub3A_31, %sub3A_45 in 1 : vector<1000x64xf32>, vector<1000x64xf32> -> vector<1000x128xf32>
    %swap3A = arith.constant 0 : index
    %swap3A_47 = arith.constant 0 : index
    %swap3A_48 = vector.load %arg4[%swap3A, %swap3A_47] : memref<1000x128xf32, #tpu.memory_space<vmem>>, vector<1000x128xf32>
    tpu.vector_store %arg4[%swap3A, %swap3A_47], %concatenate3A_46 {strides = array<i32>} : memref<1000x128xf32, #tpu.memory_space<vmem>>, vector<1000x128xf32>,
    return
  }
  func.func @transform_0(%arg0: i32) -> (i32, i32, i32) {
    %c0_i32 = arith.constant 0 : i32
    %c0_i32_0 = arith.constant 0 : i32
    %c0_i32_1 = arith.constant 0 : i32
    return %c0_i32, %arg0, %c0_i32_0 : i32, i32, i32
  }
  func.func @transform_1(%arg0: i32) -> (i32, i32) {
    %c0_i32 = arith.constant 0 : i32
    %c0_i32_0 = arith.constant 0 : i32
    return %arg0, %c0_i32 : i32, i32
  }
  func.func @transform_2(%arg0: i32) -> (i32, i32) {
    %c0_i32 = arith.constant 0 : i32
    %c0_i32_0 = arith.constant 0 : i32
    %c0_i32_1 = arith.constant 0 : i32
    return %c0_i32, %c0_i32_0 : i32, i32
  }
  func.func @transform_3(%arg0: i32) -> (i32, i32) {
    %c0_i32 = arith.constant 0 : i32
    %c0_i32_0 = arith.constant 0 : i32
    return %arg0, %c0_i32 : i32, i32
  }
}

</mosaic_0001>

<sc_bundles>
// kernel: kernel.6.cloned.1.call-start
scs
__scs_entry_jumppad:
0x0: {  	(pc) =	sbr.rel $0x88, $3  }
0x1: {  	(tag) =	ssettag $0x0;
	lr =	simm.s32 $0x1  }
0x2: {  	[smem:$0x3F9D] =	sst lr;
	_ =	strace $0xD0000000  }
0x3: {  	_ = 	snop  }
0x4: {  	_ = 	snop  }
0x5: {  	_ = 	snop  }
0x6: {  	_ = 	snop  }
0x7: {  	_ = 	snop  }
__scs_overlays_trampoline_lowered:
0x8: {  	[smem:$0x3FAC] =	sst s0  }
0x9: {  	[smem:$0x3FAD] =	sst s1  }
0xa: {  	[smem:$0x3FAE] =	sst s2  }
0xb: {  	[smem:$0x3FAF] =	sst s3  }
0xc: {  	[smem:$0x3FB0] =	sst s4  }
0xd: {  	[smem:$0x3FB1] =	sst s5  }
0xe: {  	[smem:$0x3FB2] =	sst s6  }
0xf: {  	[smem:$0x3FB3] =	sst s7  }
0x10: {  	[smem:$0x3FB4] =	sst s8  }
0x11: {  	[smem:$0x3FB5] =	sst s9;
	s0 =	simm.s32 @!p0 $0x0  }
0x12: {  	s1 =	sld [smem:$0x3F9B];
	s0 =	simm.s32 @p0 $0x1  }
0x13: {  	[smem:$0x3FB6] =	sst s0;
	s0 =	simm.s32 @!p1 $0x0  }
0x14: {  	s2 =	sld [smem:$0x3F9A];
	s0 =	simm.s32 @p1 $0x1  }
0x15: {  	[smem:$0x3FB7] =	sst s0;
	s0 =	simm.s32 @!p2 $0x0  }
0x16: {  	s3 =	sld [smem:$0x3FDB];
	s0 =	simm.s32 @p2 $0x1  }
0x17: {  	s4 =	simm.s32 $0x1BF5;
	[smem:$0x3FB9] =	sst s0  }
0x18: {  	s0 =	sld [smem:$0x3F9C];
	_ =	swait.ge [sflag:s4], $0x0  }
0x19: {  	s7 =	sld [smem:$0x3F9D]  }
0x1a: {  	s8 =	sadd.s32 $0xFFFFE003, lr  }
0x1b: {  	s9 =	sadd.s32 $0xFFFFFEF7, lr;
	s5 =	simm.s32 $0xFFFFFFFF;
	p2 =	slt.u32 s8, $0xFFFFF086  }
0x1c: {  	p1 =	slt.u32 s9, $0xF7A;
	s5 =	simm.s32 @!p2 $0x0  }
0x1d: {  	s5 =	simm.s32 @p1 $0x1;
	p0 =	seq.s32 s7, s2  }
0x1e: {  	s7 =	smul.u32 @!p0 $0xF7A, s2;
	p2 =	seq.s32 @!p0 s5, $0x0  }
0x1f: {  	s9 =	smul.u32 $0xF7A, s1;
	s8 =	simm.s32 @!p0 $0x1BF5;
	p2 =	por !p2, p0  }
0x20: {  	[sflag:s8] =	ssyncset.s32 @!p0 $0xFFFFF086;
	s6 =	sadd.s32 @!p0 s3, s7;
	s7 =	simm.s32 @!p0 $0x108  }
0x21: {  	s3 =	sadd.s32 s3, s9;
	s6 =	sadd.s32 @!p0 $0x88, s6;
	s7 =	simm.s32 @p2 $0x1082  }
0x22: {  	[simem:s7], [sflag:s8] =	dma.local @!p0 [hbm:s6], $0xF7A  }
0x23: {  	s9 =	sor.u32 $0xD0000000, s2;
	s6 =	simm.s32 $0x108;
	_ =	swait.ge @!p0 [sflag:s8], $0x0  }
0x24: {  	s3 =	sadd.s32 $0x88, s3;
	s6 =	simm.s32 @!p1 $0x1082;
	[sflag:s4] =	ssyncset.s32 $0xFFFFF086  }
0x25: {  	[simem:s6], [sflag:s4] =	dma.local [hbm:s3], $0xF7A  }
0x26: {  	[smem:$0x3F9D] =	sst s1;
	(tag) =	ssettag s2;
	_ =	strace s9  }
0x27: {  	s1 =	sld [smem:$0x3FAD]  }
0x28: {  	s2 =	sld [smem:$0x3FAE]  }
0x29: {  	s4 =	sld [smem:$0x3FB0]  }
0x2a: {  	p0 =	seq.s32 s5, $0x0;
	s5 =	sld [smem:$0x3FB1]  }
0x2b: {  	s6 =	sld [smem:$0x3FB2]  }
0x2c: {  	s7 =	sld [smem:$0x3FB3]  }
0x2d: {  	s3 =	simm.s32 $0x108;
	s8 =	sld [smem:$0x3FB4]  }
0x2e: {  	s3 =	simm.s32 @!p0 $0x1082;
	s9 =	sld [smem:$0x3FB5]  }
0x2f: {  	lr =	sadd.s32 s0, s3;
	s0 =	sld [smem:$0x3FAC]  }
0x30: {  	s3 =	sld [smem:$0x3FAF]  }
0x31: {  	[smem:$0x3FB8] =	sst s10  }
0x32: {  	s10 =	sld [smem:$0x3FB6];
	_ =	sdelay $0x3  }
0x33: {  	p0 =	seq.s32 s10, $0x1;
	s10 =	sld [smem:$0x3FB8];
	_ =	sdelay $0x3  }
0x34: {  	[smem:$0x3FB8] =	sst s10  }
0x35: {  	s10 =	sld [smem:$0x3FB7];
	_ =	sdelay $0x3  }
0x36: {  	p1 =	seq.s32 s10, $0x1;
	s10 =	sld [smem:$0x3FB8];
	_ =	sdelay $0x3  }
0x37: {  	[smem:$0x3FB8] =	sst s10  }
0x38: {  	s10 =	sld [smem:$0x3FB9]  }
0x39: {  	_ = 	snop;
	(pc) =	sbr.ind lr, $3  }
0x3a: {  	_ = 	snop  }
0x3b: {  	_ = 	snop  }
0x3c: {  	p2 =	seq.s32 s10, $0x1;
	s10 =	sld [smem:$0x3FB8]  }
0x3d: {  	_ =	shalt  }
0x3e: {  	_ =	shalt  }
0x3f: {  	_ =	shalt  }
0x40: {  	_ =	shalt  }
0x41: {  	_ =	shalt  }
0x42: {  	_ =	shalt  }
0x43: {  	_ =	shalt  }
0x44: {  	_ =	shalt  }
0x45: {  	_ =	shalt  }
0x46: {  	_ =	shalt  }
0x47: {  	_ =	shalt  }
0x48: {  	_ =	shalt  }
0x49: {  	_ =	shalt  }
0x4a: {  	_ =	shalt  }
0x4b: {  	_ =	shalt  }
0x4c: {  	_ =	shalt  }
0x4d: {  	_ =	shalt  }
0x4e: {  	_ =	shalt  }
0x4f: {  	_ =	shalt  }
0x50: {  	_ =	shalt  }
0x51: {  	_ =	shalt  }
0x52: {  	_ =	shalt  }
0x53: {  	_ =	shalt  }
0x54: {  	_ =	shalt  }
0x55: {  	_ =	shalt  }
0x56: {  	_ =	shalt  }
0x57: {  	_ =	shalt  }
0x58: {  	_ =	shalt  }
0x59: {  	_ =	shalt  }
0x5a: {  	_ =	shalt  }
0x5b: {  	_ =	shalt  }
0x5c: {  	_ =	shalt  }
0x5d: {  	_ =	shalt  }
0x5e: {  	_ =	shalt  }
0x5f: {  	_ =	shalt  }
0x60: {  	_ =	shalt  }
0x61: {  	_ =	shalt  }
0x62: {  	_ =	shalt  }
0x63: {  	_ =	shalt  }
0x64: {  	_ =	shalt  }
0x65: {  	_ =	shalt  }
0x66: {  	_ =	shalt  }
0x67: {  	_ =	shalt  }
0x68: {  	_ =	shalt  }
0x69: {  	_ =	shalt  }
0x6a: {  	_ =	shalt  }
0x6b: {  	_ =	shalt  }
0x6c: {  	_ =	shalt  }
0x6d: {  	_ =	shalt  }
0x6e: {  	_ =	shalt  }
0x6f: {  	_ =	shalt  }
0x70: {  	_ =	shalt  }
0x71: {  	_ =	shalt  }
0x72: {  	_ =	shalt  }
0x73: {  	_ =	shalt  }
0x74: {  	_ =	shalt  }
0x75: {  	_ =	shalt  }
0x76: {  	_ =	shalt  }
0x77: {  	_ =	shalt  }
0x78: {  	_ =	shalt  }
0x79: {  	_ =	shalt  }
0x7a: {  	_ =	shalt  }
0x7b: {  	_ =	shalt  }
0x7c: {  	_ =	shalt  }
0x7d: {  	_ =	shalt  }
0x7e: {  	_ =	shalt  }
0x7f: {  	_ =	shalt  }
0x80: {  	_ =	shalt  }
0x81: {  	_ =	shalt  }
0x82: {  	_ =	shalt  }
0x83: {  	_ =	shalt  }
0x84: {  	_ =	shalt  }
0x85: {  	_ =	shalt  }
0x86: {  	_ =	shalt  }
0x87: {  	_ =	shalt  }
.Lfunc_end0:
.L_simem_size_0:
called_computation_lowered:
.L_overlay_start_0:
0x88: {  	s2 =	sld [smem:$0x3FD9]  }
0x89: {  	s3 =	sld [smem:$0x3FFE];
	_ =	sdelay $0x1  }
0x8a: {  	s1 =	srdreg.scid  }
0x8b: {  	s0 =	sand.u32 $0x1, s1  }
0x8c: {  	s17 =	sshll.u32 s0, $0xA;
	s2 =	sadd.s32 s3, s2  }
0x8d: {  	s2 =	sadd.s32 s2, s17  }
0x8e: {  	[smem:$0x3FC4] =	sst s2  }
0x8f: {  	_ = 	snop  }
0x90: {  	s2 =	sld [smem:$0x3FD0];
	(tm) =	ssettm $0x1  }
0x91: {  	s18 =	sld [smem:$0x3FFB];
	_ =	sdelay $0x3  }
0x92: {  	_ =	strace s18  }
0x93: {  	s3 =	sld [smem:$0x3FFC];
	_ =	sdelay $0x3  }
0x94: {  	_ =	strace s3  }
0x95: {  	s3 =	sld [smem:$0x3FFD];
	_ =	sdelay $0x3  }
0x96: {  	_ =	strace s3  }
0x97: {  	_ =	strace $0x8FFFFFFF  }
0x98: {  	s19 =	sld [smem:$0x3FDB];
	_ =	sdelay $0x1  }
0x99: {  	s4 =	simm.s32 $_scs_section_size  }
0x9a: {  	s5 =	simm.s32 $_size__tile_overlayer_lowered;
	s6 =	simm.s32 $_tile_overlayer_lowered  }
0x9b: {  	s22 =	simm.s32 $0x1BFF;
	s21 =	sshll.u32 s6, $0x1;
	s3 =	sadd.s32 s4, s19  }
0x9c: {  	s7 =	simm.s32 $0x0;
	s20 =	sshll.u32 s5, $0x1;
	s5 =	sadd.s32 s21, s3  }
0x9d: {  	[timem:s7], [sflag:s22] =	dma.local [hbm:s5], s20  }
0x9e: {  	_ =	swait.ge [sflag:s22], s20  }
0x9f: {  	s4 =	ssub.s32 $0x0, s20;
	[sflag:s22] =	ssyncset.done $0x0  }
0xa0: {  	[sflag:s22] =	ssyncadd.s32 s4;
	_ =	sdelay $0x1  }
0xa1: {  	s23 =	simm.s32 $0x1B8B  }
0xa2: {  	_ =	swait.ge [sflag:s23], $0x1  }
0xa3: {  	[sflag:s23] =	ssyncset.done $0x0  }
0xa4: {  	s25 =	simm.s32 $0x1B8E;
	s24 =	sld [smem:$0x3FFE];
	[sflag:s23] =	ssyncadd.s32 $0xFFFFFFFF  }
0xa5: {  	s26 =	simm.s32 $execute0_lowered;
	[smem:$0x3FD2] =	sst s25  }
0xa6: {  	s5 =	sshll.u32 s26, $0x1;
	_ =	strace $0x80000046;
	[dreg:$0x1] =	wrdreg $0xFFFFFFFF  }
0xa7: {  	s28 =	simm.s32 $_size_execute0_lowered;
	s3 =	sadd.s32 s3, s5;
	[dreg:$0x0] =	wrdreg $0x0  }
0xa8: {  	s5 =	sshll.u32 s28, $0x1;
	[dreg:$0x2] =	wrdreg s3  }
0xa9: {  	[dreg:$0x3] =	wrdreg s5  }
0xaa: {  	[dreg:$0x4] =	wrdreg $0xC0  }
0xab: {  	_ =	task [dreg:s7], $0x5FFFF  }
0xac: {  	[dreg:$0x1] =	wrdreg $0xFFFFFFFF  }
0xad: {  	[dreg:$0x0] =	wrdreg $0x60  }
0xae: {  	[dreg:$0x2] =	wrdreg s2  }
0xaf: {  	[dreg:$0x3] =	wrdreg s24  }
0xb0: {  	[dreg:$0x4] =	wrdreg $0x2C800  }
0xb1: {  	[dreg:$0x5] =	wrdreg $0x9  }
0xb2: {  	_ =	task.clear_ibuf [dreg:s7], $0x6FFFF;
	_ =	strace $0x90000046  }
0xb3: {  	s29 =	simm.s32 $0x9;
	_ =	strace $0x80000048  }
0xb4: {  	_ =	swait.ge [sflag:s29], $0x1  }
0xb5: {  	[sflag:s29] =	ssyncadd.s32 $0xFFFFFFFF  }
0xb6: {  	_ =	strace $0x90000048  }
0xb7: {  	_ =	sfence  }
0xb8: {  	s30 =	sld [smem:$0x0];
	_ =	sdelay $0x2  }
0xb9: {  	s31 =	sshll.u32 s1, $0xD;
	s1 =	sshrl.u32 s1, $0x2  }
0xba: {  	s3 =	sand.u32 $0x4000, s31;
	s1 =	sadd.s32 s1, s30  }
0xbb: {  	s0 =	sor.u32 s3, s0;
	s1 =	sshll.u32 s1, $0x11  }
0xbc: {  	s0 =	sor.u32 s1, s0  }
0xbd: {  	s0 =	sadd.s32 $0x8F2B, s0  }
0xbe: {  	[sflag:s0] =	ssyncadd.remote.s32 $0x1  }
0xbf: {  	_ =	sfence.sel $0xFFFF  }
0xc0: {  	[dreg:$0x0] =	wrdreg $0xFFFFFFFF;
	(pc) =	sbr.abs _section_cstart, $3  }
0xc1: {  	[dreg:$0x1] =	wrdreg $0xFFFFFFFF  }
0xc2: {  	_ =	task.clear_ibuf [dreg:s7], $0x2FFFF;
	_ =	strace $0x9FFFFFFF  }
0xc3: {  	(tm) =	ssettm $0x7FFFFFFF  }
tec
execute0_lowered:
.L_overlay_start_1:
0x0: {  	(tag) =	ssettag $0x1  }
0x1: {  	s4 =	rddreg [dreg:$0x0]  }
0x2: {  	s0 =	rddreg [dreg:$0x1];
	s2 =	simm.s32 $0x0  }
0x3: {  	v0 =	vimm.f32 $0.0e+00;
	[smem:$0x7FF] =	sst s2  }
0x4: {  	s1 =	rddreg [dreg:$0x2];
	_ =	strace $0x80000047;
	[tilespmem:$0x2A20] =	vst v0  }
0x5: {  	[tilespmem:$0x2A30] =	vst v0  }
0x6: {  	[tilespmem:$0x2A40] =	vst v0  }
0x7: {  	[tilespmem:$0x2A50] =	vst v0  }
0x8: {  	[tilespmem:$0x2A60] =	vst v0  }
0x9: {  	[tilespmem:$0x2A70] =	vst v0  }
0xa: {  	[tilespmem:$0x2A80] =	vst v0  }
0xb: {  	[tilespmem:$0x2A90] =	vst v0  }
0xc: {  	[tilespmem:$0x2AA0] =	vst v0  }
0xd: {  	[tilespmem:$0x2AB0] =	vst v0  }
0xe: {  	[tilespmem:$0x2AC0] =	vst v0  }
0xf: {  	[tilespmem:$0x2AD0] =	vst v0  }
0x10: {  	[tilespmem:$0x2AE0] =	vst v0  }
0x11: {  	[tilespmem:$0x2AF0] =	vst v0  }
0x12: {  	[tilespmem:$0x2B00] =	vst v0  }
0x13: {  	[tilespmem:$0x2B10] =	vst v0  }
0x14: {  	[tilespmem:$0x2B20] =	vst v0  }
0x15: {  	[tilespmem:$0x2B30] =	vst v0  }
0x16: {  	[tilespmem:$0x2B40] =	vst v0  }
0x17: {  	[tilespmem:$0x2B50] =	vst v0  }
0x18: {  	[tilespmem:$0x2B60] =	vst v0  }
0x19: {  	[tilespmem:$0x2B70] =	vst v0  }
0x1a: {  	[tilespmem:$0x2B80] =	vst v0  }
0x1b: {  	[tilespmem:$0x2B90] =	vst v0  }
0x1c: {  	[tilespmem:$0x2BA0] =	vst v0  }
0x1d: {  	[tilespmem:$0x2BB0] =	vst v0  }
0x1e: {  	[tilespmem:$0x2BC0] =	vst v0  }
0x1f: {  	[tilespmem:$0x2BD0] =	vst v0  }
0x20: {  	[tilespmem:$0x2BE0] =	vst v0  }
0x21: {  	[tilespmem:$0x2BF0] =	vst v0  }
0x22: {  	[tilespmem:$0x2C00] =	vst v0  }
0x23: {  	[tilespmem:$0x2C10] =	vst v0  }
0x24: {  	[tilespmem:$0x2C20] =	vst v0  }
0x25: {  	[tilespmem:$0x2C30] =	vst v0  }
0x26: {  	v1 =	vimm.f32 $1.000000000e+00;
	[tilespmem:$0x2A00] =	vst v0  }
0x27: {  	[tilespmem:$0x29F0] =	vst v1  }
0x28: {  	[tilespmem:$0x29E0] =	vst v1  }
0x29: {  	[tilespmem:$0x29D0] =	vst v1  }
0x2a: {  	[tilespmem:$0x29C0] =	vst v1  }
0x2b: {  	[tilespmem:$0x29B0] =	vst v1  }
0x2c: {  	[tilespmem:$0x29A0] =	vst v1  }
0x2d: {  	[tilespmem:$0x2990] =	vst v1  }
0x2e: {  	[tilespmem:$0x2980] =	vst v1  }
0x2f: {  	[tilespmem:$0x2970] =	vst v1  }
0x30: {  	[tilespmem:$0x2960] =	vst v1  }
0x31: {  	[tilespmem:$0x2950] =	vst v1  }
0x32: {  	[tilespmem:$0x2940] =	vst v1  }
0x33: {  	[tilespmem:$0x2930] =	vst v1  }
0x34: {  	[tilespmem:$0x2920] =	vst v1  }
0x35: {  	[tilespmem:$0x2910] =	vst v1  }
0x36: {  	[tilespmem:$0x2900] =	vst v1  }
0x37: {  	[tilespmem:$0x28F0] =	vst v1  }
0x38: {  	[tilespmem:$0x28E0] =	vst v1  }
0x39: {  	[tilespmem:$0x28D0] =	vst v1  }
0x3a: {  	[tilespmem:$0x28C0] =	vst v1  }
0x3b: {  	[tilespmem:$0x28B0] =	vst v1  }
0x3c: {  	[tilespmem:$0x28A0] =	vst v1  }
0x3d: {  	[tilespmem:$0x2890] =	vst v1  }
0x3e: {  	[tilespmem:$0x2880] =	vst v1  }
0x3f: {  	[tilespmem:$0x2870] =	vst v1  }
0x40: {  	[tilespmem:$0x2860] =	vst v1  }
0x41: {  	[tilespmem:$0x2850] =	vst v1  }
0x42: {  	s3 =	srdreg.scid;
	[tilespmem:$0x2840] =	vst v1  }
0x43: {  	s7 =	stileid.u32;
	s3 =	sand.u32 $0x1, s3;
	[tilespmem:$0x2830] =	vst v1  }
0x44: {  	s6 =	smul.u32 $0x280, s7;
	s5 =	sshll.u32 s3, $0x4;
	[tilespmem:$0x2820] =	vst v1  }
0x45: {  	s24 =	smul.u32 $0x2800, s3;
	[tilespmem:$0x2810] =	vst v1;
	s8 =	sor.u32 s7, s5  }
0x46: {  	[tilespmem:$0x2800] =	vst v1;
	s5 =	smul.u32 $0x13, s8  }
0x47: {  	[tilespmem:$0x2C70] =	vst v0;
	s9 =	smin.u32 s8, $0x11;
	s7 =	sadd.s32 s6, s24  }
0x48: {  	[tilespmem:$0x2C60] =	vst v0;
	s7 =	sshrl.u32 s7, $0x3;
	s5 =	sadd.s32 s9, s5  }
0x49: {  	[tilespmem:$0x2C50] =	vst v0;
	s0 =	sadd.s32 s7, s0;
	s5 =	sshll.u32 s5, $0x6  }
0x4a: {  	[tilespmem:$0x2C40] =	vst v0;
	s7 =	simm.s32 $0x2A00;
	s0 =	sadd.s32 $0xA00, s0;
	s4 =	sadd.s32 s4, s5  }
0x4b: {  	[tilespmem:$0x2A10] =	vst v0;
	s5 =	sadd.s32 s6, s1;
	[dreg:$0x5] =	wrdreg s0;
	s25 =	sadd.s32 $0x4C0, s4  }
0x4c: {  	[spmem:s5] =	stream.linear.scatter [tilespmem:s7], [sflag:$0x1], $0x280, $0x38;
	[tilespmem:$0x2F00] =	vst v63  }
0x4d: {  	s6 =	simm.s32 $0x1;
	[dreg:$0x4] =	wrdreg s25  }
0x4e: {  	_ =	swait.ge [sflag:s6], $0x280  }
0x4f: {  	[sflag:s6] =	ssyncset.done $0x0  }
0x50: {  	[sflag:s6] =	ssyncadd.s32 $0xFFFFFD80  }
0x51: {  	[tilespmem:s2], [sflag:$0x1] =	stream.linear.gather [hbm4b:s4+s2], $0x2600, $0x38;
	[tilespmem:$0x2F00] =	vst v63  }
0x52: {  	p0 =	sgt.u32 s8, $0x10;
	_ =	swait.ge [sflag:s6], $0x2600  }
0x53: {  	s8 =	simm.s32 @!p0 $0x0;
	s10 =	simm.s32 @!p0 $0x1;
	[sflag:s6] =	ssyncset.done $0x0  }
0x54: {  	s9 =	simm.s32 @!p0 $0x2600;
	s0 =	rddreg [dreg:$0x4];
	[sflag:s6] =	ssyncadd.s32 $0xFFFFDA00  }
0x55: {  	[tilespmem:s9], [sflag:$0x1] =	stream.linear.gather @!p0 [hbm4b:s0+s8], $0x200, $0x38;
	[tilespmem:$0x2F00] =	vst v63  }
0x56: {  	_ =	swait.ge @!p0 [sflag:s10], $0x200  }
0x57: {  	[sflag:s10] =	ssyncset.done @!p0 $0x0  }
0x58: {  	[sflag:s10] =	ssyncadd.s32 @!p0 $0xFFFFFE00  }
0x59: {  	s11 =	simm.s32 $0x200;
	s12 =	simm.s32 $0x2800;
	[bflag:$0x0] =	sbarrier.arrive $0xFFFF  }
0x5a: {  	[spmem:s1] =	stream.indirect.scatter.add.f32 [tilespmem:s12], [sflag:$0x1], $0x1, s2, s11, $0xb8;
	[tilespmem:$0x2F00] =	vst v63  }
0x5b: {  	_ =	swait.ge [sflag:s6], $0x200  }
0x5c: {  	[sflag:s6] =	ssyncset.done $0x0  }
0x5d: {  	[sflag:s6] =	ssyncadd.s32 $0xFFFFFE00  }
0x5e: {  	[spmem:s1] =	stream.indirect.scatter.add.f32 [tilespmem:s12], [sflag:$0x1], $0x1, s11, s11, $0xb8;
	[tilespmem:$0x2F00] =	vst v63  }
0x5f: {  	_ =	swait.ge [sflag:s6], $0x200  }
0x60: {  	[sflag:s6] =	ssyncset.done $0x0  }
0x61: {  	s26 =	simm.s32 $0x400;
	[sflag:s6] =	ssyncadd.s32 $0xFFFFFE00  }
0x62: {  	[spmem:s1] =	stream.indirect.scatter.add.f32 [tilespmem:s12], [sflag:$0x1], $0x1, s26, s11, $0xb8;
	[tilespmem:$0x2F00] =	vst v63  }
0x63: {  	_ =	swait.ge [sflag:s6], $0x200  }
0x64: {  	[sflag:s6] =	ssyncset.done $0x0  }
0x65: {  	s14 =	simm.s32 $0x600;
	[sflag:s6] =	ssyncadd.s32 $0xFFFFFE00  }
0x66: {  	[spmem:s1] =	stream.indirect.scatter.add.f32 [tilespmem:s12], [sflag:$0x1], $0x1, s14, s11, $0xb8;
	[tilespmem:$0x2F00] =	vst v63  }
0x67: {  	_ =	swait.ge [sflag:s6], $0x200  }
0x68: {  	[sflag:s6] =	ssyncset.done $0x0  }
0x69: {  	s15 =	simm.s32 $0x800;
	[sflag:s6] =	ssyncadd.s32 $0xFFFFFE00  }
0x6a: {  	[spmem:s1] =	stream.indirect.scatter.add.f32 [tilespmem:s12], [sflag:$0x1], $0x1, s15, s11, $0xb8;
	[tilespmem:$0x2F00] =	vst v63  }
0x6b: {  	_ =	swait.ge [sflag:s6], $0x200  }
0x6c: {  	[sflag:s6] =	ssyncset.done $0x0  }
0x6d: {  	s16 =	simm.s32 $0xA00;
	[sflag:s6] =	ssyncadd.s32 $0xFFFFFE00  }
0x6e: {  	[spmem:s1] =	stream.indirect.scatter.add.f32 [tilespmem:s12], [sflag:$0x1], $0x1, s16, s11, $0xb8;
	[tilespmem:$0x2F00] =	vst v63  }
0x6f: {  	_ =	swait.ge [sflag:s6], $0x200  }
0x70: {  	[sflag:s6] =	ssyncset.done $0x0  }
0x71: {  	s17 =	simm.s32 $0xC00;
	[sflag:s6] =	ssyncadd.s32 $0xFFFFFE00  }
0x72: {  	[spmem:s1] =	stream.indirect.scatter.add.f32 [tilespmem:s12], [sflag:$0x1], $0x1, s17, s11, $0xb8;
	[tilespmem:$0x2F00] =	vst v63  }
0x73: {  	_ =	swait.ge [sflag:s6], $0x200  }
0x74: {  	[sflag:s6] =	ssyncset.done $0x0  }
0x75: {  	s18 =	simm.s32 $0xE00;
	[sflag:s6] =	ssyncadd.s32 $0xFFFFFE00  }
0x76: {  	[spmem:s1] =	stream.indirect.scatter.add.f32 [tilespmem:s12], [sflag:$0x1], $0x1, s18, s11, $0xb8;
	[tilespmem:$0x2F00] =	vst v63  }
0x77: {  	_ =	swait.ge [sflag:s6], $0x200  }
0x78: {  	[sflag:s6] =	ssyncset.done $0x0  }
0x79: {  	s19 =	simm.s32 $0x1000;
	[sflag:s6] =	ssyncadd.s32 $0xFFFFFE00  }
0x7a: {  	[spmem:s1] =	stream.indirect.scatter.add.f32 [tilespmem:s12], [sflag:$0x1], $0x1, s19, s11, $0xb8;
	[tilespmem:$0x2F00] =	vst v63  }
0x7b: {  	_ =	swait.ge [sflag:s6], $0x200  }
0x7c: {  	[sflag:s6] =	ssyncset.done $0x0  }
0x7d: {  	s20 =	simm.s32 $0x1200;
	[sflag:s6] =	ssyncadd.s32 $0xFFFFFE00  }
0x7e: {  	[spmem:s1] =	stream.indirect.scatter.add.f32 [tilespmem:s12], [sflag:$0x1], $0x1, s20, s11, $0xb8;
	[tilespmem:$0x2F00] =	vst v63  }
0x7f: {  	_ =	swait.ge [sflag:s6], $0x200  }
0x80: {  	[sflag:s6] =	ssyncset.done $0x0  }
0x81: {  	s21 =	simm.s32 $0x1400;
	[sflag:s6] =	ssyncadd.s32 $0xFFFFFE00  }
0x82: {  	[spmem:s1] =	stream.indirect.scatter.add.f32 [tilespmem:s12], [sflag:$0x1], $0x1, s21, s11, $0xb8;
	[tilespmem:$0x2F00] =	vst v63  }
0x83: {  	_ =	swait.ge [sflag:s6], $0x200  }
0x84: {  	[sflag:s6] =	ssyncset.done $0x0  }
0x85: {  	s22 =	simm.s32 $0x1600;
	[sflag:s6] =	ssyncadd.s32 $0xFFFFFE00  }
0x86: {  	[spmem:s1] =	stream.indirect.scatter.add.f32 [tilespmem:s12], [sflag:$0x1], $0x1, s22, s11, $0xb8;
	[tilespmem:$0x2F00] =	vst v63  }
0x87: {  	_ =	swait.ge [sflag:s6], $0x200  }
0x88: {  	[sflag:s6] =	ssyncset.done $0x0  }
0x89: {  	s23 =	simm.s32 $0x1800;
	[sflag:s6] =	ssyncadd.s32 $0xFFFFFE00  }
0x8a: {  	[spmem:s1] =	stream.indirect.scatter.add.f32 [tilespmem:s12], [sflag:$0x1], $0x1, s23, s11, $0xb8;
	[tilespmem:$0x2F00] =	vst v63  }
0x8b: {  	_ =	swait.ge [sflag:s6], $0x200  }
0x8c: {  	[sflag:s6] =	ssyncset.done $0x0  }
0x8d: {  	s24 =	simm.s32 $0x1A00;
	[sflag:s6] =	ssyncadd.s32 $0xFFFFFE00  }
0x8e: {  	[spmem:s1] =	stream.indirect.scatter.add.f32 [tilespmem:s12], [sflag:$0x1], $0x1, s24, s11, $0xb8;
	[tilespmem:$0x2F00] =	vst v63  }
0x8f: {  	_ =	swait.ge [sflag:s6], $0x200  }
0x90: {  	[sflag:s6] =	ssyncset.done $0x0  }
0x91: {  	s25 =	simm.s32 $0x1C00;
	[sflag:s6] =	ssyncadd.s32 $0xFFFFFE00  }
0x92: {  	[spmem:s1] =	stream.indirect.scatter.add.f32 [tilespmem:s12], [sflag:$0x1], $0x1, s25, s11, $0xb8;
	[tilespmem:$0x2F00] =	vst v63  }
0x93: {  	_ =	swait.ge [sflag:s6], $0x200  }
0x94: {  	[sflag:s6] =	ssyncset.done $0x0  }
0x95: {  	s26 =	simm.s32 $0x1E00;
	[sflag:s6] =	ssyncadd.s32 $0xFFFFFE00  }
0x96: {  	[spmem:s1] =	stream.indirect.scatter.add.f32 [tilespmem:s12], [sflag:$0x1], $0x1, s26, s11, $0xb8;
	[tilespmem:$0x2F00] =	vst v63  }
0x97: {  	_ =	swait.ge [sflag:s6], $0x200  }
0x98: {  	[sflag:s6] =	ssyncset.done $0x0  }
0x99: {  	s28 =	simm.s32 $0x2000;
	[sflag:s6] =	ssyncadd.s32 $0xFFFFFE00  }
0x9a: {  	[spmem:s1] =	stream.indirect.scatter.add.f32 [tilespmem:s12], [sflag:$0x1], $0x1, s28, s11, $0xb8;
	[tilespmem:$0x2F00] =	vst v63  }
0x9b: {  	_ =	swait.ge [sflag:s6], $0x200  }
0x9c: {  	[sflag:s6] =	ssyncset.done $0x0  }
0x9d: {  	s29 =	simm.s32 $0x2200;
	[sflag:s6] =	ssyncadd.s32 $0xFFFFFE00  }
0x9e: {  	[spmem:s1] =	stream.indirect.scatter.add.f32 [tilespmem:s12], [sflag:$0x1], $0x1, s29, s11, $0xb8;
	[tilespmem:$0x2F00] =	vst v63  }
0x9f: {  	_ =	swait.ge [sflag:s6], $0x200  }
0xa0: {  	[sflag:s6] =	ssyncset.done $0x0  }
0xa1: {  	s30 =	simm.s32 $0x2400;
	[sflag:s6] =	ssyncadd.s32 $0xFFFFFE00  }
0xa2: {  	[spmem:s1] =	stream.indirect.scatter.add.f32 [tilespmem:s12], [sflag:$0x1], $0x1, s30, s11, $0xb8;
	[tilespmem:$0x2F00] =	vst v63  }
0xa3: {  	_ =	swait.ge [sflag:s6], $0x200  }
0xa4: {  	s13 =	ssub.s32 $0x2, s3;
	[sflag:s6] =	ssyncset.done $0x0  }
0xa5: {  	s31 =	simm.s32 @!p0 $0x200;
	s0 =	simm.s32 @!p0 $0x2800;
	[sflag:s6] =	ssyncadd.s32 $0xFFFFFE00  }
0xa6: {  	[spmem:s1] =	stream.indirect.scatter.add.f32 @!p0 [tilespmem:s0], [sflag:$0x1], $0x1, s9, s31, $0xb8;
	[tilespmem:$0x2F00] =	vst v63  }
0xa7: {  	s3 =	sshrl.u32 s13, $0x1;
	_ =	swait.ge @!p0 [sflag:s10], $0x200  }
0xa8: {  	s3 =	ssub.s32 s13, s3;
	[sflag:s10] =	ssyncset.done @!p0 $0x0  }
0xa9: {  	s3 =	smax.u32 s3, $0x1;
	[sflag:s10] =	ssyncadd.s32 @!p0 $0xFFFFFE00  }
0xaa: {  	s3 =	sadd.s32 $0xFFFFFFFF, s3;
	[bflag:$0x0] =	sbarrier.arrive $0xFFFF  }
0xab: {  	[tilespmem:s7], [sflag:$0x1] =	stream.linear.gather [spmem:s5], $0x280, $0x38;
	[tilespmem:$0x2F00] =	vst v63  }
0xac: {  	p1 =	sne.s32 s3, $0x0;
	_ =	swait.ge [sflag:s6], $0x280  }
.Ltmp0:
0xad: {  	[sflag:s6] =	ssyncset.done $0x0;
	(pc) =	sbr.rel @!p1 .LBB2_2-.Ltmp0, $4  }
0xae: {  	s8 =	rddreg [dreg:$0x5];
	[sflag:s6] =	ssyncadd.s32 $0xFFFFFD80  }
0xaf: {  	[hbm4b:s8+s2] =	stream.linear.scatter [tilespmem:s7], [sflag:$0x1], $0x280, $0x38;
	[tilespmem:$0x2F00] =	vst v63  }
0xb0: {  	_ =	swait.ge [sflag:s6], $0x280  }
0xb1: {  	[sflag:s6] =	ssyncset.done $0x0  }
.LBB2_1:
0xb2: {  	[sflag:s6] =	ssyncadd.s32 $0xFFFFFD80  }
0xb3: {  	[tilespmem:$0x2A20] =	vst v0  }
0xb4: {  	[tilespmem:$0x2A30] =	vst v0  }
0xb5: {  	[tilespmem:$0x2A40] =	vst v0  }
0xb6: {  	[tilespmem:$0x2A50] =	vst v0  }
0xb7: {  	[tilespmem:$0x2A60] =	vst v0  }
0xb8: {  	[tilespmem:$0x2A70] =	vst v0  }
0xb9: {  	[tilespmem:$0x2A80] =	vst v0  }
0xba: {  	[tilespmem:$0x2A90] =	vst v0  }
0xbb: {  	[tilespmem:$0x2AA0] =	vst v0  }
0xbc: {  	[tilespmem:$0x2AB0] =	vst v0  }
0xbd: {  	[tilespmem:$0x2AC0] =	vst v0  }
0xbe: {  	[tilespmem:$0x2AD0] =	vst v0  }
0xbf: {  	[tilespmem:$0x2AE0] =	vst v0  }
0xc0: {  	[tilespmem:$0x2AF0] =	vst v0  }
0xc1: {  	[tilespmem:$0x2B00] =	vst v0  }
0xc2: {  	[tilespmem:$0x2B10] =	vst v0  }
0xc3: {  	[tilespmem:$0x2B20] =	vst v0  }
0xc4: {  	[tilespmem:$0x2B30] =	vst v0  }
0xc5: {  	[tilespmem:$0x2B40] =	vst v0  }
0xc6: {  	[tilespmem:$0x2B50] =	vst v0  }
0xc7: {  	[tilespmem:$0x2B60] =	vst v0  }
0xc8: {  	[tilespmem:$0x2B70] =	vst v0  }
0xc9: {  	[tilespmem:$0x2B80] =	vst v0  }
0xca: {  	[tilespmem:$0x2B90] =	vst v0  }
0xcb: {  	[tilespmem:$0x2BA0] =	vst v0  }
0xcc: {  	[tilespmem:$0x2BB0] =	vst v0  }
0xcd: {  	[tilespmem:$0x2BC0] =	vst v0  }
0xce: {  	[tilespmem:$0x2BD0] =	vst v0  }
0xcf: {  	[tilespmem:$0x2BE0] =	vst v0  }
0xd0: {  	[tilespmem:$0x2BF0] =	vst v0  }
0xd1: {  	[tilespmem:$0x2C00] =	vst v0  }
0xd2: {  	[tilespmem:$0x2C10] =	vst v0  }
0xd3: {  	[tilespmem:$0x2C20] =	vst v0  }
0xd4: {  	[tilespmem:$0x2C30] =	vst v0  }
0xd5: {  	[tilespmem:$0x2A00] =	vst v0  }
0xd6: {  	[tilespmem:$0x29F0] =	vst v1  }
0xd7: {  	[tilespmem:$0x29E0] =	vst v1  }
0xd8: {  	[tilespmem:$0x29D0] =	vst v1  }
0xd9: {  	[tilespmem:$0x29C0] =	vst v1  }
0xda: {  	[tilespmem:$0x29B0] =	vst v1  }
0xdb: {  	[tilespmem:$0x29A0] =	vst v1  }
0xdc: {  	[tilespmem:$0x2990] =	vst v1  }
0xdd: {  	[tilespmem:$0x2980] =	vst v1  }
0xde: {  	[tilespmem:$0x2970] =	vst v1  }
0xdf: {  	[tilespmem:$0x2960] =	vst v1  }
0xe0: {  	[tilespmem:$0x2950] =	vst v1  }
0xe1: {  	[tilespmem:$0x2940] =	vst v1  }
0xe2: {  	[tilespmem:$0x2930] =	vst v1  }
0xe3: {  	[tilespmem:$0x2920] =	vst v1  }
0xe4: {  	[tilespmem:$0x2910] =	vst v1  }
0xe5: {  	[tilespmem:$0x2900] =	vst v1  }
0xe6: {  	[tilespmem:$0x28F0] =	vst v1  }
0xe7: {  	[tilespmem:$0x28E0] =	vst v1  }
0xe8: {  	[tilespmem:$0x28D0] =	vst v1  }
0xe9: {  	[tilespmem:$0x28C0] =	vst v1  }
0xea: {  	[tilespmem:$0x28B0] =	vst v1  }
0xeb: {  	[tilespmem:$0x28A0] =	vst v1  }
0xec: {  	[tilespmem:$0x2890] =	vst v1  }
0xed: {  	[tilespmem:$0x2880] =	vst v1  }
0xee: {  	[tilespmem:$0x2870] =	vst v1  }
0xef: {  	[tilespmem:$0x2860] =	vst v1  }
0xf0: {  	[tilespmem:$0x2850] =	vst v1  }
0xf1: {  	[tilespmem:$0x2840] =	vst v1  }
0xf2: {  	[tilespmem:$0x2830] =	vst v1  }
0xf3: {  	[tilespmem:$0x2820] =	vst v1  }
0xf4: {  	[tilespmem:$0x2810] =	vst v1  }
0xf5: {  	[tilespmem:$0x2800] =	vst v1  }
0xf6: {  	[tilespmem:$0x2C70] =	vst v0  }
0xf7: {  	[tilespmem:$0x2C60] =	vst v0  }
0xf8: {  	[tilespmem:$0x2C50] =	vst v0  }
0xf9: {  	[tilespmem:$0x2C40] =	vst v0  }
0xfa: {  	[tilespmem:$0x2A10] =	vst v0  }
0xfb: {  	[spmem:s5] =	stream.linear.scatter [tilespmem:s7], [sflag:$0x1], $0x280, $0x38;
	[tilespmem:$0x2F00] =	vst v63  }
0xfc: {  	_ =	swait.ge [sflag:s6], $0x280  }
0xfd: {  	[sflag:s6] =	ssyncset.done $0x0  }
0xfe: {  	[sflag:s6] =	ssyncadd.s32 $0xFFFFFD80  }
0xff: {  	[tilespmem:s2], [sflag:$0x1] =	stream.linear.gather [hbm4b:s4+s2], $0x2600, $0x38;
	[tilespmem:$0x2F00] =	vst v63  }
0x100: {  	_ =	swait.ge [sflag:s6], $0x2600  }
0x101: {  	[sflag:s6] =	ssyncset.done $0x0  }
0x102: {  	s13 =	simm.s32 @!p0 $0x0;
	s8 =	rddreg [dreg:$0x4];
	[sflag:s6] =	ssyncadd.s32 $0xFFFFDA00  }
0x103: {  	[tilespmem:s9], [sflag:$0x1] =	stream.linear.gather @!p0 [hbm4b:s8+s13], $0x200, $0x38;
	[tilespmem:$0x2F00] =	vst v63  }
0x104: {  	_ =	swait.ge @!p0 [sflag:s10], $0x200  }
0x105: {  	[sflag:s10] =	ssyncset.done @!p0 $0x0  }
0x106: {  	[sflag:s10] =	ssyncadd.s32 @!p0 $0xFFFFFE00  }
0x107: {  	[bflag:$0x0] =	sbarrier.arrive $0xFFFF  }
0x108: {  	[spmem:s1] =	stream.indirect.scatter.add.f32 [tilespmem:s12], [sflag:$0x1], $0x1, s2, s11, $0xb8;
	[tilespmem:$0x2F00] =	vst v63  }
0x109: {  	_ =	swait.ge [sflag:s6], $0x200  }
0x10a: {  	[sflag:s6] =	ssyncset.done $0x0  }
0x10b: {  	[sflag:s6] =	ssyncadd.s32 $0xFFFFFE00  }
0x10c: {  	[spmem:s1] =	stream.indirect.scatter.add.f32 [tilespmem:s12], [sflag:$0x1], $0x1, s11, s11, $0xb8;
	[tilespmem:$0x2F00] =	vst v63  }
0x10d: {  	_ =	swait.ge [sflag:s6], $0x200  }
0x10e: {  	[sflag:s6] =	ssyncset.done $0x0  }
0x10f: {  	s13 =	simm.s32 $0x400;
	[sflag:s6] =	ssyncadd.s32 $0xFFFFFE00  }
0x110: {  	[spmem:s1] =	stream.indirect.scatter.add.f32 [tilespmem:s12], [sflag:$0x1], $0x1, s13, s11, $0xb8;
	[tilespmem:$0x2F00] =	vst v63  }
0x111: {  	_ =	swait.ge [sflag:s6], $0x200  }
0x112: {  	[sflag:s6] =	ssyncset.done $0x0  }
0x113: {  	[sflag:s6] =	ssyncadd.s32 $0xFFFFFE00  }
0x114: {  	[spmem:s1] =	stream.indirect.scatter.add.f32 [tilespmem:s12], [sflag:$0x1], $0x1, s14, s11, $0xb8;
	[tilespmem:$0x2F00] =	vst v63  }
0x115: {  	_ =	swait.ge [sflag:s6], $0x200  }
0x116: {  	[sflag:s6] =	ssyncset.done $0x0  }
0x117: {  	[sflag:s6] =	ssyncadd.s32 $0xFFFFFE00  }
0x118: {  	[spmem:s1] =	stream.indirect.scatter.add.f32 [tilespmem:s12], [sflag:$0x1], $0x1, s15, s11, $0xb8;
	[tilespmem:$0x2F00] =	vst v63  }
0x119: {  	_ =	swait.ge [sflag:s6], $0x200  }
0x11a: {  	[sflag:s6] =	ssyncset.done $0x0  }
0x11b: {  	[sflag:s6] =	ssyncadd.s32 $0xFFFFFE00  }
0x11c: {  	[spmem:s1] =	stream.indirect.scatter.add.f32 [tilespmem:s12], [sflag:$0x1], $0x1, s16, s11, $0xb8;
	[tilespmem:$0x2F00] =	vst v63  }
0x11d: {  	_ =	swait.ge [sflag:s6], $0x200  }
0x11e: {  	[sflag:s6] =	ssyncset.done $0x0  }
0x11f: {  	[sflag:s6] =	ssyncadd.s32 $0xFFFFFE00  }
0x120: {  	[spmem:s1] =	stream.indirect.scatter.add.f32 [tilespmem:s12], [sflag:$0x1], $0x1, s17, s11, $0xb8;
	[tilespmem:$0x2F00] =	vst v63  }
0x121: {  	_ =	swait.ge [sflag:s6], $0x200  }
0x122: {  	[sflag:s6] =	ssyncset.done $0x0  }
0x123: {  	[sflag:s6] =	ssyncadd.s32 $0xFFFFFE00  }
0x124: {  	[spmem:s1] =	stream.indirect.scatter.add.f32 [tilespmem:s12], [sflag:$0x1], $0x1, s18, s11, $0xb8;
	[tilespmem:$0x2F00] =	vst v63  }
0x125: {  	_ =	swait.ge [sflag:s6], $0x200  }
0x126: {  	[sflag:s6] =	ssyncset.done $0x0  }
0x127: {  	[sflag:s6] =	ssyncadd.s32 $0xFFFFFE00  }
0x128: {  	[spmem:s1] =	stream.indirect.scatter.add.f32 [tilespmem:s12], [sflag:$0x1], $0x1, s19, s11, $0xb8;
	[tilespmem:$0x2F00] =	vst v63  }
0x129: {  	_ =	swait.ge [sflag:s6], $0x200  }
0x12a: {  	[sflag:s6] =	ssyncset.done $0x0  }
0x12b: {  	[sflag:s6] =	ssyncadd.s32 $0xFFFFFE00  }
0x12c: {  	[spmem:s1] =	stream.indirect.scatter.add.f32 [tilespmem:s12], [sflag:$0x1], $0x1, s20, s11, $0xb8;
	[tilespmem:$0x2F00] =	vst v63  }
0x12d: {  	_ =	swait.ge [sflag:s6], $0x200  }
0x12e: {  	[sflag:s6] =	ssyncset.done $0x0  }
0x12f: {  	[sflag:s6] =	ssyncadd.s32 $0xFFFFFE00  }
0x130: {  	[spmem:s1] =	stream.indirect.scatter.add.f32 [tilespmem:s12], [sflag:$0x1], $0x1, s21, s11, $0xb8;
	[tilespmem:$0x2F00] =	vst v63  }
0x131: {  	_ =	swait.ge [sflag:s6], $0x200  }
0x132: {  	[sflag:s6] =	ssyncset.done $0x0  }
0x133: {  	[sflag:s6] =	ssyncadd.s32 $0xFFFFFE00  }
0x134: {  	[spmem:s1] =	stream.indirect.scatter.add.f32 [tilespmem:s12], [sflag:$0x1], $0x1, s22, s11, $0xb8;
	[tilespmem:$0x2F00] =	vst v63  }
0x135: {  	_ =	swait.ge [sflag:s6], $0x200  }
0x136: {  	[sflag:s6] =	ssyncset.done $0x0  }
0x137: {  	[sflag:s6] =	ssyncadd.s32 $0xFFFFFE00  }
0x138: {  	[spmem:s1] =	stream.indirect.scatter.add.f32 [tilespmem:s12], [sflag:$0x1], $0x1, s23, s11, $0xb8;
	[tilespmem:$0x2F00] =	vst v63  }
0x139: {  	_ =	swait.ge [sflag:s6], $0x200  }
0x13a: {  	[sflag:s6] =	ssyncset.done $0x0  }
0x13b: {  	[sflag:s6] =	ssyncadd.s32 $0xFFFFFE00  }
0x13c: {  	[spmem:s1] =	stream.indirect.scatter.add.f32 [tilespmem:s12], [sflag:$0x1], $0x1, s24, s11, $0xb8;
	[tilespmem:$0x2F00] =	vst v63  }
0x13d: {  	_ =	swait.ge [sflag:s6], $0x200  }
0x13e: {  	[sflag:s6] =	ssyncset.done $0x0  }
0x13f: {  	[sflag:s6] =	ssyncadd.s32 $0xFFFFFE00  }
0x140: {  	[spmem:s1] =	stream.indirect.scatter.add.f32 [tilespmem:s12], [sflag:$0x1], $0x1, s25, s11, $0xb8;
	[tilespmem:$0x2F00] =	vst v63  }
0x141: {  	_ =	swait.ge [sflag:s6], $0x200  }
0x142: {  	[sflag:s6] =	ssyncset.done $0x0  }
0x143: {  	[sflag:s6] =	ssyncadd.s32 $0xFFFFFE00  }
0x144: {  	[spmem:s1] =	stream.indirect.scatter.add.f32 [tilespmem:s12], [sflag:$0x1], $0x1, s26, s11, $0xb8;
	[tilespmem:$0x2F00] =	vst v63  }
0x145: {  	_ =	swait.ge [sflag:s6], $0x200  }
0x146: {  	[sflag:s6] =	ssyncset.done $0x0  }
0x147: {  	[sflag:s6] =	ssyncadd.s32 $0xFFFFFE00  }
0x148: {  	[spmem:s1] =	stream.indirect.scatter.add.f32 [tilespmem:s12], [sflag:$0x1], $0x1, s28, s11, $0xb8;
	[tilespmem:$0x2F00] =	vst v63  }
0x149: {  	_ =	swait.ge [sflag:s6], $0x200  }
0x14a: {  	[sflag:s6] =	ssyncset.done $0x0  }
0x14b: {  	[sflag:s6] =	ssyncadd.s32 $0xFFFFFE00  }
0x14c: {  	[spmem:s1] =	stream.indirect.scatter.add.f32 [tilespmem:s12], [sflag:$0x1], $0x1, s29, s11, $0xb8;
	[tilespmem:$0x2F00] =	vst v63  }
0x14d: {  	_ =	swait.ge [sflag:s6], $0x200  }
0x14e: {  	[sflag:s6] =	ssyncset.done $0x0  }
0x14f: {  	[sflag:s6] =	ssyncadd.s32 $0xFFFFFE00  }
0x150: {  	[spmem:s1] =	stream.indirect.scatter.add.f32 [tilespmem:s12], [sflag:$0x1], $0x1, s30, s11, $0xb8;
	[tilespmem:$0x2F00] =	vst v63  }
0x151: {  	_ =	swait.ge [sflag:s6], $0x200  }
0x152: {  	[sflag:s6] =	ssyncset.done $0x0  }
0x153: {  	[sflag:s6] =	ssyncadd.s32 $0xFFFFFE00  }
0x154: {  	[spmem:s1] =	stream.indirect.scatter.add.f32 @!p0 [tilespmem:s0], [sflag:$0x1], $0x1, s9, s31, $0xb8;
	[tilespmem:$0x2F00] =	vst v63  }
0x155: {  	_ =	swait.ge @!p0 [sflag:s10], $0x200  }
0x156: {  	[sflag:s10] =	ssyncset.done @!p0 $0x0  }
0x157: {  	[sflag:s10] =	ssyncadd.s32 @!p0 $0xFFFFFE00  }
0x158: {  	s3 =	sadd.s32 $0xFFFFFFFF, s3;
	[bflag:$0x0] =	sbarrier.arrive $0xFFFF  }
0x159: {  	[tilespmem:s7], [sflag:$0x1] =	stream.linear.gather [spmem:s5], $0x280, $0x38;
	[tilespmem:$0x2F00] =	vst v63  }
0x15a: {  	p1 =	sne.s32 s3, $0x0;
	_ =	swait.ge [sflag:s6], $0x280  }
.Ltmp1:
0x15b: {  	[sflag:s6] =	ssyncset.done $0x0;
	(pc) =	sbr.rel @p1 .LBB2_1-.Ltmp1, $4  }
0x15c: {  	s13 =	rddreg [dreg:$0x5];
	[sflag:s6] =	ssyncadd.s32 $0xFFFFFD80  }
0x15d: {  	[hbm4b:s13+s2] =	stream.linear.scatter [tilespmem:s7], [sflag:$0x1], $0x280, $0x38;
	[tilespmem:$0x2F00] =	vst v63  }
0x15e: {  	_ =	swait.ge [sflag:s6], $0x280  }
0x15f: {  	[sflag:s6] =	ssyncset.done $0x0  }
.LBB2_2:
0x160: {  	[sflag:s6] =	ssyncadd.s32 $0xFFFFFD80  }
0x161: {  	_ =	sfence.sel $0x180000  }
0x162: {  	[bflag:$0x0] =	sbarrier.arrive $0xFFFF  }
0x163: {  	_ =	strace $0x90000047  }
0x164: {  	s0 =	stileid.u32;
	[bflag:$0x2] =	sbarrier.arrive $0xFFFF  }
0x165: {  	p0 =	sne.s32 s0, $0x0;
	s0 =	rddreg [dreg:$0x3]  }
0x166: {  	s0 =	sadd.s32 @!p0 $0x100000, s0  }
0x167: {  	[sflag:s0] =	ssyncadd.tile.s32 @!p0 $0x1;
	_ =	shalt  }
.Lfunc_end2:
_tile_overlayer_lowered:
.L_overlay_start_2:
0x168: {  	(tag) =	ssettag $0x2  }
0x169: {  	s0 =	rddreg [dreg:$0x0];
	s2 =	stileid.u32  }
0x16a: {  	s1 =	rddreg [dreg:$0x1];
	p0 =	sne.s32 s2, $0x0  }
0x16b: {  	s3 =	rddreg [dreg:$0x2];
	[bflag:$0x3] =	sbarrier.arrive $0xFFFF;
	s2 =	simm.s32 @!p0 $0x1C01  }
0x16c: {  	[timem:s3], [sflag:s2] =	dma.local @!p0 [hbm:s0], s1  }
0x16d: {  	s0 =	simm.s32 @!p0 $0x1  }
0x16e: {  	_ =	swait.ge @!p0 [sflag:s0], s1  }
0x16f: {  	s1 =	ssub.s32 @!p0 $0x0, s1;
	[sflag:s0] =	ssyncset.done @!p0 $0x0  }
0x170: {  	[sflag:s0] =	ssyncadd.s32 @!p0 s1  }
0x171: {  	[bflag:$0x3] =	sbarrier.arrive $0xFFFF  }
0x172: {  	_ =	shalt  }

// kernel: kernel.9.cloned.1.call-start
scs
__scs_entry_jumppad:
0x0: {  	(pc) =	sbr.rel $0x88, $3  }
0x1: {  	(tag) =	ssettag $0x0;
	lr =	simm.s32 $0x1  }
0x2: {  	[smem:$0x3F9D] =	sst lr;
	_ =	strace $0xD0000000  }
0x3: {  	_ = 	snop  }
0x4: {  	_ = 	snop  }
0x5: {  	_ = 	snop  }
0x6: {  	_ = 	snop  }
0x7: {  	_ = 	snop  }
__scs_overlays_trampoline_lowered:
0x8: {  	[smem:$0x3FAC] =	sst s0  }
0x9: {  	[smem:$0x3FAD] =	sst s1  }
0xa: {  	[smem:$0x3FAE] =	sst s2  }
0xb: {  	[smem:$0x3FAF] =	sst s3  }
0xc: {  	[smem:$0x3FB0] =	sst s4  }
0xd: {  	[smem:$0x3FB1] =	sst s5  }
0xe: {  	[smem:$0x3FB2] =	sst s6  }
0xf: {  	[smem:$0x3FB3] =	sst s7  }
0x10: {  	[smem:$0x3FB4] =	sst s8  }
0x11: {  	[smem:$0x3FB5] =	sst s9;
	s0 =	simm.s32 @!p0 $0x0  }
0x12: {  	s1 =	sld [smem:$0x3F9B];
	s0 =	simm.s32 @p0 $0x1  }
0x13: {  	[smem:$0x3FB6] =	sst s0;
	s0 =	simm.s32 @!p1 $0x0  }
0x14: {  	s2 =	sld [smem:$0x3F9A];
	s0 =	simm.s32 @p1 $0x1  }
0x15: {  	[smem:$0x3FB7] =	sst s0;
	s0 =	simm.s32 @!p2 $0x0  }
0x16: {  	s3 =	sld [smem:$0x3FDB];
	s0 =	simm.s32 @p2 $0x1  }
0x17: {  	s4 =	simm.s32 $0x1BF5;
	[smem:$0x3FB9] =	sst s0  }
0x18: {  	s0 =	sld [smem:$0x3F9C];
	_ =	swait.ge [sflag:s4], $0x0  }
0x19: {  	s7 =	sld [smem:$0x3F9D]  }
0x1a: {  	s8 =	sadd.s32 $0xFFFFE003, lr  }
0x1b: {  	s9 =	sadd.s32 $0xFFFFFEF7, lr;
	s5 =	simm.s32 $0xFFFFFFFF;
	p2 =	slt.u32 s8, $0xFFFFF086  }
0x1c: {  	p1 =	slt.u32 s9, $0xF7A;
	s5 =	simm.s32 @!p2 $0x0  }
0x1d: {  	s5 =	simm.s32 @p1 $0x1;
	p0 =	seq.s32 s7, s2  }
0x1e: {  	s7 =	smul.u32 @!p0 $0xF7A, s2;
	p2 =	seq.s32 @!p0 s5, $0x0  }
0x1f: {  	s9 =	smul.u32 $0xF7A, s1;
	s8 =	simm.s32 @!p0 $0x1BF5;
	p2 =	por !p2, p0  }
0x20: {  	[sflag:s8] =	ssyncset.s32 @!p0 $0xFFFFF086;
	s6 =	sadd.s32 @!p0 s3, s7;
	s7 =	simm.s32 @!p0 $0x108  }
0x21: {  	s3 =	sadd.s32 s3, s9;
	s6 =	sadd.s32 @!p0 $0x88, s6;
	s7 =	simm.s32 @p2 $0x1082  }
0x22: {  	[simem:s7], [sflag:s8] =	dma.local @!p0 [hbm:s6], $0xF7A  }
0x23: {  	s9 =	sor.u32 $0xD0000000, s2;
	s6 =	simm.s32 $0x108;
	_ =	swait.ge @!p0 [sflag:s8], $0x0  }
0x24: {  	s3 =	sadd.s32 $0x88, s3;
	s6 =	simm.s32 @!p1 $0x1082;
	[sflag:s4] =	ssyncset.s32 $0xFFFFF086  }
0x25: {  	[simem:s6], [sflag:s4] =	dma.local [hbm:s3], $0xF7A  }
0x26: {  	[smem:$0x3F9D] =	sst s1;
	(tag) =	ssettag s2;
	_ =	strace s9  }
0x27: {  	s1 =	sld [smem:$0x3FAD]  }
0x28: {  	s2 =	sld [smem:$0x3FAE]  }
0x29: {  	s4 =	sld [smem:$0x3FB0]  }
0x2a: {  	p0 =	seq.s32 s5, $0x0;
	s5 =	sld [smem:$0x3FB1]  }
0x2b: {  	s6 =	sld [smem:$0x3FB2]  }
0x2c: {  	s7 =	sld [smem:$0x3FB3]  }
0x2d: {  	s3 =	simm.s32 $0x108;
	s8 =	sld [smem:$0x3FB4]  }
0x2e: {  	s3 =	simm.s32 @!p0 $0x1082;
	s9 =	sld [smem:$0x3FB5]  }
0x2f: {  	lr =	sadd.s32 s0, s3;
	s0 =	sld [smem:$0x3FAC]  }
0x30: {  	s3 =	sld [smem:$0x3FAF]  }
0x31: {  	[smem:$0x3FB8] =	sst s10  }
0x32: {  	s10 =	sld [smem:$0x3FB6];
	_ =	sdelay $0x3  }
0x33: {  	p0 =	seq.s32 s10, $0x1;
	s10 =	sld [smem:$0x3FB8];
	_ =	sdelay $0x3  }
0x34: {  	[smem:$0x3FB8] =	sst s10  }
0x35: {  	s10 =	sld [smem:$0x3FB7];
	_ =	sdelay $0x3  }
0x36: {  	p1 =	seq.s32 s10, $0x1;
	s10 =	sld [smem:$0x3FB8];
	_ =	sdelay $0x3  }
0x37: {  	[smem:$0x3FB8] =	sst s10  }
0x38: {  	s10 =	sld [smem:$0x3FB9]  }
0x39: {  	_ = 	snop;
	(pc) =	sbr.ind lr, $3  }
0x3a: {  	_ = 	snop  }
0x3b: {  	_ = 	snop  }
0x3c: {  	p2 =	seq.s32 s10, $0x1;
	s10 =	sld [smem:$0x3FB8]  }
0x3d: {  	_ =	shalt  }
0x3e: {  	_ =	shalt  }
0x3f: {  	_ =	shalt  }
0x40: {  	_ =	shalt  }
0x41: {  	_ =	shalt  }
0x42: {  	_ =	shalt  }
0x43: {  	_ =	shalt  }
0x44: {  	_ =	shalt  }
0x45: {  	_ =	shalt  }
0x46: {  	_ =	shalt  }
0x47: {  	_ =	shalt  }
0x48: {  	_ =	shalt  }
0x49: {  	_ =	shalt  }
0x4a: {  	_ =	shalt  }
0x4b: {  	_ =	shalt  }
0x4c: {  	_ =	shalt  }
0x4d: {  	_ =	shalt  }
0x4e: {  	_ =	shalt  }
0x4f: {  	_ =	shalt  }
0x50: {  	_ =	shalt  }
0x51: {  	_ =	shalt  }
0x52: {  	_ =	shalt  }
0x53: {  	_ =	shalt  }
0x54: {  	_ =	shalt  }
0x55: {  	_ =	shalt  }
0x56: {  	_ =	shalt  }
0x57: {  	_ =	shalt  }
0x58: {  	_ =	shalt  }
0x59: {  	_ =	shalt  }
0x5a: {  	_ =	shalt  }
0x5b: {  	_ =	shalt  }
0x5c: {  	_ =	shalt  }
0x5d: {  	_ =	shalt  }
0x5e: {  	_ =	shalt  }
0x5f: {  	_ =	shalt  }
0x60: {  	_ =	shalt  }
0x61: {  	_ =	shalt  }
0x62: {  	_ =	shalt  }
0x63: {  	_ =	shalt  }
0x64: {  	_ =	shalt  }
0x65: {  	_ =	shalt  }
0x66: {  	_ =	shalt  }
0x67: {  	_ =	shalt  }
0x68: {  	_ =	shalt  }
0x69: {  	_ =	shalt  }
0x6a: {  	_ =	shalt  }
0x6b: {  	_ =	shalt  }
0x6c: {  	_ =	shalt  }
0x6d: {  	_ =	shalt  }
0x6e: {  	_ =	shalt  }
0x6f: {  	_ =	shalt  }
0x70: {  	_ =	shalt  }
0x71: {  	_ =	shalt  }
0x72: {  	_ =	shalt  }
0x73: {  	_ =	shalt  }
0x74: {  	_ =	shalt  }
0x75: {  	_ =	shalt  }
0x76: {  	_ =	shalt  }
0x77: {  	_ =	shalt  }
0x78: {  	_ =	shalt  }
0x79: {  	_ =	shalt  }
0x7a: {  	_ =	shalt  }
0x7b: {  	_ =	shalt  }
0x7c: {  	_ =	shalt  }
0x7d: {  	_ =	shalt  }
0x7e: {  	_ =	shalt  }
0x7f: {  	_ =	shalt  }
0x80: {  	_ =	shalt  }
0x81: {  	_ =	shalt  }
0x82: {  	_ =	shalt  }
0x83: {  	_ =	shalt  }
0x84: {  	_ =	shalt  }
0x85: {  	_ =	shalt  }
0x86: {  	_ =	shalt  }
0x87: {  	_ =	shalt  }
.Lfunc_end0:
.L_simem_size_0:
called_computation.1_lowered:
.L_overlay_start_0:
0x88: {  	s2 =	sld [smem:$0x3FD9]  }
0x89: {  	s3 =	sld [smem:$0x3FFE];
	_ =	sdelay $0x1  }
0x8a: {  	s1 =	srdreg.scid  }
0x8b: {  	s0 =	sand.u32 $0x1, s1  }
0x8c: {  	s17 =	sshll.u32 s0, $0xA;
	s2 =	sadd.s32 s3, s2  }
0x8d: {  	s2 =	sadd.s32 s2, s17  }
0x8e: {  	[smem:$0x3FC4] =	sst s2  }
0x8f: {  	_ = 	snop  }
0x90: {  	s2 =	sld [smem:$0x3FD0];
	(tm) =	ssettm $0x1  }
0x91: {  	s18 =	sld [smem:$0x3FFB];
	_ =	sdelay $0x3  }
0x92: {  	_ =	strace s18  }
0x93: {  	s3 =	sld [smem:$0x3FFC];
	_ =	sdelay $0x3  }
0x94: {  	_ =	strace s3  }
0x95: {  	s3 =	sld [smem:$0x3FFD];
	_ =	sdelay $0x3  }
0x96: {  	_ =	strace s3  }
0x97: {  	_ =	strace $0x8FFFFFFF  }
0x98: {  	s19 =	sld [smem:$0x3FDB];
	_ =	sdelay $0x1  }
0x99: {  	s4 =	simm.s32 $_scs_section_size  }
0x9a: {  	s5 =	simm.s32 $_size__tile_overlayer_lowered;
	s6 =	simm.s32 $_tile_overlayer_lowered  }
0x9b: {  	s22 =	simm.s32 $0x1BFF;
	s21 =	sshll.u32 s6, $0x1;
	s3 =	sadd.s32 s4, s19  }
0x9c: {  	s7 =	simm.s32 $0x0;
	s20 =	sshll.u32 s5, $0x1;
	s5 =	sadd.s32 s21, s3  }
0x9d: {  	[timem:s7], [sflag:s22] =	dma.local [hbm:s5], s20  }
0x9e: {  	_ =	swait.ge [sflag:s22], s20  }
0x9f: {  	s4 =	ssub.s32 $0x0, s20;
	[sflag:s22] =	ssyncset.done $0x0  }
0xa0: {  	[sflag:s22] =	ssyncadd.s32 s4;
	_ =	sdelay $0x1  }
0xa1: {  	s23 =	simm.s32 $0x1B8B  }
0xa2: {  	_ =	swait.ge [sflag:s23], $0x1  }
0xa3: {  	[sflag:s23] =	ssyncset.done $0x0  }
0xa4: {  	s25 =	simm.s32 $0x1B8E;
	s24 =	sld [smem:$0x3FFE];
	[sflag:s23] =	ssyncadd.s32 $0xFFFFFFFF  }
0xa5: {  	s26 =	simm.s32 $execute0_lowered;
	[smem:$0x3FD2] =	sst s25  }
0xa6: {  	s5 =	sshll.u32 s26, $0x1;
	_ =	strace $0x80000049;
	[dreg:$0x1] =	wrdreg $0xFFFFFFFF  }
0xa7: {  	s28 =	simm.s32 $_size_execute0_lowered;
	s3 =	sadd.s32 s3, s5;
	[dreg:$0x0] =	wrdreg $0x0  }
0xa8: {  	s5 =	sshll.u32 s28, $0x1;
	[dreg:$0x2] =	wrdreg s3  }
0xa9: {  	[dreg:$0x3] =	wrdreg s5  }
0xaa: {  	[dreg:$0x4] =	wrdreg $0xC0  }
0xab: {  	_ =	task [dreg:s7], $0x5FFFF  }
0xac: {  	[dreg:$0x1] =	wrdreg $0xFFFFFFFF  }
0xad: {  	[dreg:$0x0] =	wrdreg $0x60  }
0xae: {  	[dreg:$0x2] =	wrdreg s24  }
0xaf: {  	[dreg:$0x3] =	wrdreg s2  }
0xb0: {  	[dreg:$0x4] =	wrdreg $0x150000  }
0xb1: {  	[dreg:$0x5] =	wrdreg $0x9  }
0xb2: {  	_ =	task.clear_ibuf [dreg:s7], $0x6FFFF;
	_ =	strace $0x90000049  }
0xb3: {  	s29 =	simm.s32 $0x9;
	_ =	strace $0x8000004B  }
0xb4: {  	_ =	swait.ge [sflag:s29], $0x1  }
0xb5: {  	[sflag:s29] =	ssyncadd.s32 $0xFFFFFFFF  }
0xb6: {  	_ =	strace $0x9000004B  }
0xb7: {  	_ =	sfence  }
0xb8: {  	s30 =	sld [smem:$0x0];
	_ =	sdelay $0x2  }
0xb9: {  	s31 =	sshll.u32 s1, $0xD;
	s1 =	sshrl.u32 s1, $0x2  }
0xba: {  	s3 =	sand.u32 $0x4000, s31;
	s1 =	sadd.s32 s1, s30  }
0xbb: {  	s0 =	sor.u32 s3, s0;
	s1 =	sshll.u32 s1, $0x11  }
0xbc: {  	s0 =	sor.u32 s1, s0  }
0xbd: {  	s0 =	sadd.s32 $0x8F2B, s0  }
0xbe: {  	[sflag:s0] =	ssyncadd.remote.s32 $0x1  }
0xbf: {  	_ =	sfence.sel $0xFFFF  }
0xc0: {  	[dreg:$0x0] =	wrdreg $0xFFFFFFFF;
	(pc) =	sbr.abs _section_cstart, $3  }
0xc1: {  	[dreg:$0x1] =	wrdreg $0xFFFFFFFF  }
0xc2: {  	_ =	task.clear_ibuf [dreg:s7], $0x2FFFF;
	_ =	strace $0x9FFFFFFF  }
0xc3: {  	(tm) =	ssettm $0x7FFFFFFF  }
tec
execute0_lowered:
.L_overlay_start_1:
0x0: {  	(tag) =	ssettag $0x1  }
0x1: {  	s0 =	rddreg [dreg:$0x0]  }
0x2: {  	s2 =	rddreg [dreg:$0x1]  }
0x3: {  	s1 =	rddreg [dreg:$0x2]  }
0x4: {  	s4 =	srdreg.scid;
	s3 =	simm.s32 $0x0;
	s10 =	stileid.u32  }
0x5: {  	s21 =	simm.s32 $0xD000;
	s22 =	simm.s32 $0x1;
	s30 =	simm.s32 $0x4A00  }
0x6: {  	s31 =	simm.s32 $0x2400;
	s17 =	sand.u32 $0x1, s4;
	s8 =	smul.u32 $0x280, s10  }
0x7: {  	[smem:$0x7FF] =	sst s3;
	s12 =	sadd.s32 $0x1400, s0;
	s23 =	smul.u32 $0x28000, s10  }
0x8: {  	s13 =	smul.u32 $0xA000, s10;
	s4 =	sshll.u32 s17, $0x4;
	_ =	strace $0x8000004A  }
0x9: {  	s5 =	ssub.s32 $0x2, s17;
	s19 =	smul.u32 $0xA0000, s17;
	p0 =	sne.s32 s17, $0x0  }
0xa: {  	s17 =	simm.s32 $0x3;
	s18 =	sor.u32 s10, s4;
	s4 =	sadd.s32 $0xB200, s0  }
0xb: {  	s7 =	sshrl.u32 s5, $0x1;
	s0 =	sadd.s32 $0x1F200, s0;
	s9 =	sadd.s32 $0x200, s8  }
0xc: {  	s26 =	sshrl.u32 s13, $0x3;
	s8 =	sadd.s32 s13, s1;
	s6 =	smul.u32 $0x13, s18  }
0xd: {  	s15 =	ssub.s32 s5, s7;
	s24 =	smin.u32 s18, $0x11;
	s5 =	sshrl.u32 s23, $0x2  }
0xe: {  	s14 =	sshll.u32 s9, $0x6;
	s7 =	sadd.s32 s4, s26;
	s9 =	sshll.u32 s9, $0x3  }
0xf: {  	s20 =	sadd.s32 s13, s19;
	p1 =	sgt.u32 s18, $0x10;
	s18 =	simm.s32 $0x2800  }
0x10: {  	s5 =	sadd.s32 s5, s1;
	s9 =	sadd.s32 s4, s9;
	s28 =	sshrl.u32 s20, $0x3  }
0x11: {  	s15 =	smax.u32 s15, $0x1;
	s20 =	simm.s32 $0x5000;
	s25 =	sadd.s32 s24, s6  }
0x12: {  	s6 =	sadd.s32 s14, s1;
	s14 =	sadd.s32 s19, s14;
	s19 =	simm.s32 $0x200  }
0x13: {  	s24 =	simm.s32 $0x2;
	s16 =	sshll.u32 s25, $0x6;
	s29 =	sshrl.u32 s14, $0x3  }
0x14: {  	s10 =	sadd.s32 s12, s16;
	s11 =	sadd.s32 s2, s16;
	s16 =	sadd.s32 $0x4C0, s16  }
0x15: {  	s14 =	sadd.s32 s0, s28;
	s12 =	sadd.s32 s12, s16;
	s13 =	sadd.s32 s2, s16  }
0x16: {  	v0 =	vimm.f32 $0.0e+00;
	s16 =	sadd.s32 s0, s29;
	s0 =	simm.s32 $0x4C00;
	s2 =	simm.s32 $0x0  }
.LBB2_1:
0x17: {  	s25 =	simm.s32 $0x100;
	s23 =	simm.s32 $0x0  }
.LBB2_2:
0x18: {  	p2 =	sne.s32 s25, $0x1FF00;
	[tilespmem:s23+$0xD030] =	vst v0;
	s26 =	smov.u32 s25;
	s25 =	sadd.s32 $0x100, s25  }
.Ltmp0:
0x19: {  	[tilespmem:s23+$0xD020] =	vst v0;
	(pc) =	sbr.rel @p2 .LBB2_2-.Ltmp0, $3  }
0x1a: {  	[tilespmem:s23+$0xD000] =	vst v0  }
0x1b: {  	[tilespmem:s23+$0xD010] =	vst v0;
	_ =	sdelay $0x1  }
0x1c: {  	s23 =	sshra.s32 s26, $0x2  }
0x1d: {  	[tilespmem:s23+$0xD030] =	vst v0  }
0x1e: {  	[tilespmem:s23+$0xD020] =	vst v0  }
0x1f: {  	[tilespmem:s23+$0xD000] =	vst v0  }
0x20: {  	[tilespmem:s23+$0xD010] =	vst v0;
	s23 =	simm.s32 @p0 $0xD000  }
0x21: {  	[spmem:s5] =	stream.linear.scatter @p0 [tilespmem:s23], [sflag:$0x3], $0x8000, $0x38;
	[tilespmem:$0x1F000] =	vst v63  }
0x22: {  	s23 =	simm.s32 @p0 $0x3  }
0x23: {  	_ =	swait.ge @p0 [sflag:s23], $0x8000  }
0x24: {  	s25 =	simm.s32 @!p0 $0x5000;
	[sflag:s23] =	ssyncset.done @p0 $0x0  }
0x25: {  	s26 =	simm.s32 @!p0 $0x3;
	[sflag:s23] =	ssyncadd.s32 @p0 $0xFFFF8000;
	s23 =	simm.s32 @!p0 $0x0  }
0x26: {  	[tilespmem:s25], [sflag:$0x3] =	stream.linear.gather @!p0 [hbm4b:s7+s23], $0x8000, $0x38;
	[tilespmem:$0x1F000] =	vst v63  }
0x27: {  	_ =	swait.ge @!p0 [sflag:s26], $0x8000  }
0x28: {  	[sflag:s26] =	ssyncset.done @!p0 $0x0  }
0x29: {  	[sflag:s26] =	ssyncadd.s32 @!p0 $0xFFFF8000  }
0x2a: {  	[spmem:s8] =	stream.linear.scatter @!p0 [tilespmem:s25], [sflag:$0x3], $0x8000, $0x38;
	[tilespmem:$0x1F000] =	vst v63  }
0x2b: {  	_ =	swait.ge @!p0 [sflag:s26], $0x8000  }
0x2c: {  	[sflag:s26] =	ssyncset.done @!p0 $0x0  }
0x2d: {  	[sflag:s26] =	ssyncadd.s32 @!p0 $0xFFFF8000  }
0x2e: {  	[tilespmem:s25], [sflag:$0x3] =	stream.linear.gather @!p0 [hbm4b:s9+s23], $0x2000, $0x38;
	[tilespmem:$0x1F000] =	vst v63  }
0x2f: {  	_ =	swait.ge @!p0 [sflag:s26], $0x2000  }
0x30: {  	[sflag:s26] =	ssyncset.done @!p0 $0x0  }
0x31: {  	s25 =	simm.s32 @p0 $0xD000;
	[sflag:s26] =	ssyncadd.s32 @!p0 $0xFFFFE000  }
0x32: {  	[spmem:s6] =	stream.linear.scatter [tilespmem:s25], [sflag:$0x3], $0x2000, $0x38;
	[tilespmem:$0x1F000] =	vst v63  }
0x33: {  	_ =	swait.ge [sflag:s17], $0x2000  }
0x34: {  	[sflag:s17] =	ssyncset.done $0x0  }
0x35: {  	[sflag:s17] =	ssyncadd.s32 $0xFFFFE000  }
0x36: {  	[tilespmem:s3], [sflag:$0x3] =	stream.linear.gather [hbm4b:s10+s3], $0x2600, $0x38;
	[tilespmem:$0x1F000] =	vst v63  }
0x37: {  	_ =	swait.ge [sflag:s17], $0x2600  }
0x38: {  	[sflag:s17] =	ssyncset.done $0x0  }
0x39: {  	[sflag:s17] =	ssyncadd.s32 $0xFFFFDA00  }
0x3a: {  	[tilespmem:s18], [sflag:$0x3] =	stream.linear.gather [hbm4b:s11+s3], $0x2600, $0x38;
	[tilespmem:$0x1F000] =	vst v63  }
0x3b: {  	_ =	swait.ge [sflag:s17], $0x2600  }
0x3c: {  	s28 =	simm.s32 @!p1 $0x0;
	[sflag:s17] =	ssyncset.done $0x0  }
0x3d: {  	s23 =	simm.s32 @!p1 $0x3;
	s25 =	simm.s32 @!p1 $0x2600;
	[sflag:s17] =	ssyncadd.s32 $0xFFFFDA00  }
0x3e: {  	[tilespmem:s25], [sflag:$0x3] =	stream.linear.gather @!p1 [hbm4b:s12+s28], $0x200, $0x38;
	[tilespmem:$0x1F000] =	vst v63  }
0x3f: {  	_ =	swait.ge @!p1 [sflag:s23], $0x200  }
0x40: {  	[sflag:s23] =	ssyncset.done @!p1 $0x0  }
0x41: {  	s26 =	simm.s32 @!p1 $0x4E00;
	[sflag:s23] =	ssyncadd.s32 @!p1 $0xFFFFFE00  }
0x42: {  	[tilespmem:s26], [sflag:$0x3] =	stream.linear.gather @!p1 [hbm4b:s13+s28], $0x200, $0x38;
	[tilespmem:$0x1F000] =	vst v63  }
0x43: {  	_ =	swait.ge @!p1 [sflag:s23], $0x200  }
0x44: {  	[sflag:s23] =	ssyncset.done @!p1 $0x0  }
0x45: {  	[sflag:s23] =	ssyncadd.s32 @!p1 $0xFFFFFE00  }
0x46: {  	[bflag:$0x0] =	sbarrier.arrive $0xFFFF  }
0x47: {  	[tilespmem:s20], [sflag:$0x1] =	stream.indirect.gather [hbm4b:s4+s19], $0x40, s3, s19, $0xb8;
	[tilespmem:$0x1F000] =	vst v63  }
0x48: {  	_ = 	snop  }
0x49: {  	[tilespmem:s21], [sflag:$0x2] =	stream.indirect.gather [hbm4b:s4+s19], $0x40, s19, s19, $0xb8;
	[tilespmem:$0x1F000] =	vst v63  }
0x4a: {  	_ =	swait.ge [sflag:s22], $0x8000  }
0x4b: {  	[sflag:s22] =	ssyncset.done $0x0  }
0x4c: {  	[sflag:s22] =	ssyncadd.s32 $0xFFFF8000  }
0x4d: {  	[spmem:s1] =	stream.indirect.scatter.add.f32 [tilespmem:s20], [sflag:$0x3], $0x40, s18, s19, $0xb8;
	[tilespmem:$0x1F000] =	vst v63  }
0x4e: {  	_ =	swait.ge [sflag:s17], $0x8000  }
0x4f: {  	[sflag:s17] =	ssyncset.done $0x0  }
0x50: {  	s29 =	simm.s32 $0x400;
	[sflag:s17] =	ssyncadd.s32 $0xFFFF8000  }
0x51: {  	[tilespmem:s20], [sflag:$0x1] =	stream.indirect.gather [hbm4b:s4+s19], $0x40, s29, s19, $0xb8;
	[tilespmem:$0x1F000] =	vst v63  }
0x52: {  	_ =	swait.ge [sflag:s24], $0x8000  }
0x53: {  	[sflag:s24] =	ssyncset.done $0x0  }
0x54: {  	s29 =	simm.s32 $0x2A00;
	[sflag:s24] =	ssyncadd.s32 $0xFFFF8000  }
0x55: {  	[spmem:s1] =	stream.indirect.scatter.add.f32 [tilespmem:s21], [sflag:$0x3], $0x40, s29, s19, $0xb8;
	[tilespmem:$0x1F000] =	vst v63  }
0x56: {  	_ =	swait.ge [sflag:s17], $0x8000  }
0x57: {  	[sflag:s17] =	ssyncset.done $0x0  }
0x58: {  	s29 =	simm.s32 $0x600;
	[sflag:s17] =	ssyncadd.s32 $0xFFFF8000  }
0x59: {  	[tilespmem:s21], [sflag:$0x2] =	stream.indirect.gather [hbm4b:s4+s19], $0x40, s29, s19, $0xb8;
	[tilespmem:$0x1F000] =	vst v63  }
0x5a: {  	_ =	swait.ge [sflag:s22], $0x8000  }
0x5b: {  	[sflag:s22] =	ssyncset.done $0x0  }
0x5c: {  	s29 =	simm.s32 $0x2C00;
	[sflag:s22] =	ssyncadd.s32 $0xFFFF8000  }
0x5d: {  	[spmem:s1] =	stream.indirect.scatter.add.f32 [tilespmem:s20], [sflag:$0x3], $0x40, s29, s19, $0xb8;
	[tilespmem:$0x1F000] =	vst v63  }
0x5e: {  	_ =	swait.ge [sflag:s17], $0x8000  }
0x5f: {  	[sflag:s17] =	ssyncset.done $0x0  }
0x60: {  	s29 =	simm.s32 $0x800;
	[sflag:s17] =	ssyncadd.s32 $0xFFFF8000  }
0x61: {  	[tilespmem:s20], [sflag:$0x1] =	stream.indirect.gather [hbm4b:s4+s19], $0x40, s29, s19, $0xb8;
	[tilespmem:$0x1F000] =	vst v63  }
0x62: {  	_ =	swait.ge [sflag:s24], $0x8000  }
0x63: {  	[sflag:s24] =	ssyncset.done $0x0  }
0x64: {  	s29 =	simm.s32 $0x2E00;
	[sflag:s24] =	ssyncadd.s32 $0xFFFF8000  }
0x65: {  	[spmem:s1] =	stream.indirect.scatter.add.f32 [tilespmem:s21], [sflag:$0x3], $0x40, s29, s19, $0xb8;
	[tilespmem:$0x1F000] =	vst v63  }
0x66: {  	_ =	swait.ge [sflag:s17], $0x8000  }
0x67: {  	[sflag:s17] =	ssyncset.done $0x0  }
0x68: {  	s29 =	simm.s32 $0xA00;
	[sflag:s17] =	ssyncadd.s32 $0xFFFF8000  }
0x69: {  	[tilespmem:s21], [sflag:$0x2] =	stream.indirect.gather [hbm4b:s4+s19], $0x40, s29, s19, $0xb8;
	[tilespmem:$0x1F000] =	vst v63  }
0x6a: {  	_ =	swait.ge [sflag:s22], $0x8000  }
0x6b: {  	[sflag:s22] =	ssyncset.done $0x0  }
0x6c: {  	s29 =	simm.s32 $0x3000;
	[sflag:s22] =	ssyncadd.s32 $0xFFFF8000  }
0x6d: {  	[spmem:s1] =	stream.indirect.scatter.add.f32 [tilespmem:s20], [sflag:$0x3], $0x40, s29, s19, $0xb8;
	[tilespmem:$0x1F000] =	vst v63  }
0x6e: {  	_ =	swait.ge [sflag:s17], $0x8000  }
0x6f: {  	[sflag:s17] =	ssyncset.done $0x0  }
0x70: {  	s29 =	simm.s32 $0xC00;
	[sflag:s17] =	ssyncadd.s32 $0xFFFF8000  }
0x71: {  	[tilespmem:s20], [sflag:$0x1] =	stream.indirect.gather [hbm4b:s4+s19], $0x40, s29, s19, $0xb8;
	[tilespmem:$0x1F000] =	vst v63  }
0x72: {  	_ =	swait.ge [sflag:s24], $0x8000  }
0x73: {  	[sflag:s24] =	ssyncset.done $0x0  }
0x74: {  	s29 =	simm.s32 $0x3200;
	[sflag:s24] =	ssyncadd.s32 $0xFFFF8000  }
0x75: {  	[spmem:s1] =	stream.indirect.scatter.add.f32 [tilespmem:s21], [sflag:$0x3], $0x40, s29, s19, $0xb8;
	[tilespmem:$0x1F000] =	vst v63  }
0x76: {  	_ =	swait.ge [sflag:s17], $0x8000  }
0x77: {  	[sflag:s17] =	ssyncset.done $0x0  }
0x78: {  	s29 =	simm.s32 $0xE00;
	[sflag:s17] =	ssyncadd.s32 $0xFFFF8000  }
0x79: {  	[tilespmem:s21], [sflag:$0x2] =	stream.indirect.gather [hbm4b:s4+s19], $0x40, s29, s19, $0xb8;
	[tilespmem:$0x1F000] =	vst v63  }
0x7a: {  	_ =	swait.ge [sflag:s22], $0x8000  }
0x7b: {  	[sflag:s22] =	ssyncset.done $0x0  }
0x7c: {  	s29 =	simm.s32 $0x3400;
	[sflag:s22] =	ssyncadd.s32 $0xFFFF8000  }
0x7d: {  	[spmem:s1] =	stream.indirect.scatter.add.f32 [tilespmem:s20], [sflag:$0x3], $0x40, s29, s19, $0xb8;
	[tilespmem:$0x1F000] =	vst v63  }
0x7e: {  	_ =	swait.ge [sflag:s17], $0x8000  }
0x7f: {  	[sflag:s17] =	ssyncset.done $0x0  }
0x80: {  	s29 =	simm.s32 $0x1000;
	[sflag:s17] =	ssyncadd.s32 $0xFFFF8000  }
0x81: {  	[tilespmem:s20], [sflag:$0x1] =	stream.indirect.gather [hbm4b:s4+s19], $0x40, s29, s19, $0xb8;
	[tilespmem:$0x1F000] =	vst v63  }
0x82: {  	_ =	swait.ge [sflag:s24], $0x8000  }
0x83: {  	[sflag:s24] =	ssyncset.done $0x0  }
0x84: {  	s29 =	simm.s32 $0x3600;
	[sflag:s24] =	ssyncadd.s32 $0xFFFF8000  }
0x85: {  	[spmem:s1] =	stream.indirect.scatter.add.f32 [tilespmem:s21], [sflag:$0x3], $0x40, s29, s19, $0xb8;
	[tilespmem:$0x1F000] =	vst v63  }
0x86: {  	_ =	swait.ge [sflag:s17], $0x8000  }
0x87: {  	[sflag:s17] =	ssyncset.done $0x0  }
0x88: {  	s29 =	simm.s32 $0x1200;
	[sflag:s17] =	ssyncadd.s32 $0xFFFF8000  }
0x89: {  	[tilespmem:s21], [sflag:$0x2] =	stream.indirect.gather [hbm4b:s4+s19], $0x40, s29, s19, $0xb8;
	[tilespmem:$0x1F000] =	vst v63  }
0x8a: {  	_ =	swait.ge [sflag:s22], $0x8000  }
0x8b: {  	[sflag:s22] =	ssyncset.done $0x0  }
0x8c: {  	s29 =	simm.s32 $0x3800;
	[sflag:s22] =	ssyncadd.s32 $0xFFFF8000  }
0x8d: {  	[spmem:s1] =	stream.indirect.scatter.add.f32 [tilespmem:s20], [sflag:$0x3], $0x40, s29, s19, $0xb8;
	[tilespmem:$0x1F000] =	vst v63  }
0x8e: {  	_ =	swait.ge [sflag:s17], $0x8000  }
0x8f: {  	[sflag:s17] =	ssyncset.done $0x0  }
0x90: {  	s29 =	simm.s32 $0x1400;
	[sflag:s17] =	ssyncadd.s32 $0xFFFF8000  }
0x91: {  	[tilespmem:s20], [sflag:$0x1] =	stream.indirect.gather [hbm4b:s4+s19], $0x40, s29, s19, $0xb8;
	[tilespmem:$0x1F000] =	vst v63  }
0x92: {  	_ =	swait.ge [sflag:s24], $0x8000  }
0x93: {  	[sflag:s24] =	ssyncset.done $0x0  }
0x94: {  	s29 =	simm.s32 $0x3A00;
	[sflag:s24] =	ssyncadd.s32 $0xFFFF8000  }
0x95: {  	[spmem:s1] =	stream.indirect.scatter.add.f32 [tilespmem:s21], [sflag:$0x3], $0x40, s29, s19, $0xb8;
	[tilespmem:$0x1F000] =	vst v63  }
0x96: {  	_ =	swait.ge [sflag:s17], $0x8000  }
0x97: {  	[sflag:s17] =	ssyncset.done $0x0  }
0x98: {  	s29 =	simm.s32 $0x1600;
	[sflag:s17] =	ssyncadd.s32 $0xFFFF8000  }
0x99: {  	[tilespmem:s21], [sflag:$0x2] =	stream.indirect.gather [hbm4b:s4+s19], $0x40, s29, s19, $0xb8;
	[tilespmem:$0x1F000] =	vst v63  }
0x9a: {  	_ =	swait.ge [sflag:s22], $0x8000  }
0x9b: {  	[sflag:s22] =	ssyncset.done $0x0  }
0x9c: {  	s29 =	simm.s32 $0x3C00;
	[sflag:s22] =	ssyncadd.s32 $0xFFFF8000  }
0x9d: {  	[spmem:s1] =	stream.indirect.scatter.add.f32 [tilespmem:s20], [sflag:$0x3], $0x40, s29, s19, $0xb8;
	[tilespmem:$0x1F000] =	vst v63  }
0x9e: {  	_ =	swait.ge [sflag:s17], $0x8000  }
0x9f: {  	[sflag:s17] =	ssyncset.done $0x0  }
0xa0: {  	s29 =	simm.s32 $0x1800;
	[sflag:s17] =	ssyncadd.s32 $0xFFFF8000  }
0xa1: {  	[tilespmem:s20], [sflag:$0x1] =	stream.indirect.gather [hbm4b:s4+s19], $0x40, s29, s19, $0xb8;
	[tilespmem:$0x1F000] =	vst v63  }
0xa2: {  	_ =	swait.ge [sflag:s24], $0x8000  }
0xa3: {  	[sflag:s24] =	ssyncset.done $0x0  }
0xa4: {  	s29 =	simm.s32 $0x3E00;
	[sflag:s24] =	ssyncadd.s32 $0xFFFF8000  }
0xa5: {  	[spmem:s1] =	stream.indirect.scatter.add.f32 [tilespmem:s21], [sflag:$0x3], $0x40, s29, s19, $0xb8;
	[tilespmem:$0x1F000] =	vst v63  }
0xa6: {  	_ =	swait.ge [sflag:s17], $0x8000  }
0xa7: {  	[sflag:s17] =	ssyncset.done $0x0  }
0xa8: {  	s29 =	simm.s32 $0x1A00;
	[sflag:s17] =	ssyncadd.s32 $0xFFFF8000  }
0xa9: {  	[tilespmem:s21], [sflag:$0x2] =	stream.indirect.gather [hbm4b:s4+s19], $0x40, s29, s19, $0xb8;
	[tilespmem:$0x1F000] =	vst v63  }
0xaa: {  	_ =	swait.ge [sflag:s22], $0x8000  }
0xab: {  	[sflag:s22] =	ssyncset.done $0x0  }
0xac: {  	s29 =	simm.s32 $0x4000;
	[sflag:s22] =	ssyncadd.s32 $0xFFFF8000  }
0xad: {  	[spmem:s1] =	stream.indirect.scatter.add.f32 [tilespmem:s20], [sflag:$0x3], $0x40, s29, s19, $0xb8;
	[tilespmem:$0x1F000] =	vst v63  }
0xae: {  	_ =	swait.ge [sflag:s17], $0x8000  }
0xaf: {  	[sflag:s17] =	ssyncset.done $0x0  }
0xb0: {  	s29 =	simm.s32 $0x1C00;
	[sflag:s17] =	ssyncadd.s32 $0xFFFF8000  }
0xb1: {  	[tilespmem:s20], [sflag:$0x1] =	stream.indirect.gather [hbm4b:s4+s19], $0x40, s29, s19, $0xb8;
	[tilespmem:$0x1F000] =	vst v63  }
0xb2: {  	_ =	swait.ge [sflag:s24], $0x8000  }
0xb3: {  	[sflag:s24] =	ssyncset.done $0x0  }
0xb4: {  	s29 =	simm.s32 $0x4200;
	[sflag:s24] =	ssyncadd.s32 $0xFFFF8000  }
0xb5: {  	[spmem:s1] =	stream.indirect.scatter.add.f32 [tilespmem:s21], [sflag:$0x3], $0x40, s29, s19, $0xb8;
	[tilespmem:$0x1F000] =	vst v63  }
0xb6: {  	_ =	swait.ge [sflag:s17], $0x8000  }
0xb7: {  	[sflag:s17] =	ssyncset.done $0x0  }
0xb8: {  	s29 =	simm.s32 $0x1E00;
	[sflag:s17] =	ssyncadd.s32 $0xFFFF8000  }
0xb9: {  	[tilespmem:s21], [sflag:$0x2] =	stream.indirect.gather [hbm4b:s4+s19], $0x40, s29, s19, $0xb8;
	[tilespmem:$0x1F000] =	vst v63  }
0xba: {  	_ =	swait.ge [sflag:s22], $0x8000  }
0xbb: {  	[sflag:s22] =	ssyncset.done $0x0  }
0xbc: {  	s29 =	simm.s32 $0x4400;
	[sflag:s22] =	ssyncadd.s32 $0xFFFF8000  }
0xbd: {  	[spmem:s1] =	stream.indirect.scatter.add.f32 [tilespmem:s20], [sflag:$0x3], $0x40, s29, s19, $0xb8;
	[tilespmem:$0x1F000] =	vst v63  }
0xbe: {  	_ =	swait.ge [sflag:s17], $0x8000  }
0xbf: {  	[sflag:s17] =	ssyncset.done $0x0  }
0xc0: {  	s29 =	simm.s32 $0x2000;
	[sflag:s17] =	ssyncadd.s32 $0xFFFF8000  }
0xc1: {  	[tilespmem:s20], [sflag:$0x1] =	stream.indirect.gather [hbm4b:s4+s19], $0x40, s29, s19, $0xb8;
	[tilespmem:$0x1F000] =	vst v63  }
0xc2: {  	_ =	swait.ge [sflag:s24], $0x8000  }
0xc3: {  	[sflag:s24] =	ssyncset.done $0x0  }
0xc4: {  	s29 =	simm.s32 $0x4600;
	[sflag:s24] =	ssyncadd.s32 $0xFFFF8000  }
0xc5: {  	[spmem:s1] =	stream.indirect.scatter.add.f32 [tilespmem:s21], [sflag:$0x3], $0x40, s29, s19, $0xb8;
	[tilespmem:$0x1F000] =	vst v63  }
0xc6: {  	_ =	swait.ge [sflag:s17], $0x8000  }
0xc7: {  	[sflag:s17] =	ssyncset.done $0x0  }
0xc8: {  	s29 =	simm.s32 $0x2200;
	[sflag:s17] =	ssyncadd.s32 $0xFFFF8000  }
0xc9: {  	[tilespmem:s21], [sflag:$0x2] =	stream.indirect.gather [hbm4b:s4+s19], $0x40, s29, s19, $0xb8;
	[tilespmem:$0x1F000] =	vst v63  }
0xca: {  	_ =	swait.ge [sflag:s22], $0x8000  }
0xcb: {  	[sflag:s22] =	ssyncset.done $0x0  }
0xcc: {  	s29 =	simm.s32 $0x4800;
	[sflag:s22] =	ssyncadd.s32 $0xFFFF8000  }
0xcd: {  	[spmem:s1] =	stream.indirect.scatter.add.f32 [tilespmem:s20], [sflag:$0x3], $0x40, s29, s19, $0xb8;
	[tilespmem:$0x1F000] =	vst v63  }
0xce: {  	_ =	swait.ge [sflag:s17], $0x8000  }
0xcf: {  	[sflag:s17] =	ssyncset.done $0x0  }
0xd0: {  	[sflag:s17] =	ssyncadd.s32 $0xFFFF8000  }
0xd1: {  	_ =	swait.ge [sflag:s24], $0x8000  }
0xd2: {  	[sflag:s24] =	ssyncset.done $0x0  }
0xd3: {  	[sflag:s24] =	ssyncadd.s32 $0xFFFF8000  }
0xd4: {  	[spmem:s1] =	stream.indirect.scatter.add.f32 [tilespmem:s21], [sflag:$0x3], $0x40, s30, s19, $0xb8;
	[tilespmem:$0x1F000] =	vst v63  }
0xd5: {  	_ =	swait.ge [sflag:s17], $0x8000  }
0xd6: {  	[sflag:s17] =	ssyncset.done $0x0  }
0xd7: {  	[sflag:s17] =	ssyncadd.s32 $0xFFFF8000  }
0xd8: {  	[tilespmem:s20], [sflag:$0x3] =	stream.indirect.gather [hbm4b:s4+s19], $0x40, s31, s19, $0xb8;
	[tilespmem:$0x1F000] =	vst v63  }
0xd9: {  	_ =	swait.ge [sflag:s17], $0x8000  }
0xda: {  	[sflag:s17] =	ssyncset.done $0x0  }
0xdb: {  	[sflag:s17] =	ssyncadd.s32 $0xFFFF8000  }
0xdc: {  	[spmem:s1] =	stream.indirect.scatter.add.f32 [tilespmem:s20], [sflag:$0x3], $0x40, s0, s19, $0xb8;
	[tilespmem:$0x1F000] =	vst v63  }
0xdd: {  	_ =	swait.ge [sflag:s17], $0x8000  }
0xde: {  	[sflag:s17] =	ssyncset.done $0x0  }
0xdf: {  	s28 =	simm.s32 @!p1 $0x200;
	s29 =	simm.s32 @!p1 $0xD000;
	[sflag:s17] =	ssyncadd.s32 $0xFFFF8000  }
0xe0: {  	[tilespmem:s29], [sflag:$0x3] =	stream.indirect.gather @!p1 [hbm4b:s4+s28], $0x40, s25, s28, $0xb8;
	[tilespmem:$0x1F000] =	vst v63  }
0xe1: {  	_ =	swait.ge @!p1 [sflag:s23], $0x8000  }
0xe2: {  	[sflag:s23] =	ssyncset.done @!p1 $0x0  }
0xe3: {  	[sflag:s23] =	ssyncadd.s32 @!p1 $0xFFFF8000  }
0xe4: {  	[spmem:s1] =	stream.indirect.scatter.add.f32 @!p1 [tilespmem:s29], [sflag:$0x3], $0x40, s26, s28, $0xb8;
	[tilespmem:$0x1F000] =	vst v63  }
0xe5: {  	_ =	swait.ge @!p1 [sflag:s23], $0x8000  }
0xe6: {  	[sflag:s23] =	ssyncset.done @!p1 $0x0  }
0xe7: {  	[sflag:s23] =	ssyncadd.s32 @!p1 $0xFFFF8000  }
0xe8: {  	[bflag:$0x0] =	sbarrier.arrive $0xFFFF  }
0xe9: {  	[tilespmem:s20], [sflag:$0x3] =	stream.linear.gather [spmem:s8], $0x8000, $0x38;
	[tilespmem:$0x1F000] =	vst v63  }
0xea: {  	_ =	swait.ge [sflag:s17], $0x8000  }
0xeb: {  	[sflag:s17] =	ssyncset.done $0x0  }
0xec: {  	[sflag:s17] =	ssyncadd.s32 $0xFFFF8000  }
0xed: {  	[hbm4b:s14+s3] =	stream.linear.scatter [tilespmem:s20], [sflag:$0x3], $0x8000, $0x38;
	[tilespmem:$0x1F000] =	vst v63  }
0xee: {  	_ =	swait.ge [sflag:s17], $0x8000  }
0xef: {  	[sflag:s17] =	ssyncset.done $0x0  }
0xf0: {  	[sflag:s17] =	ssyncadd.s32 $0xFFFF8000  }
0xf1: {  	[tilespmem:s20], [sflag:$0x3] =	stream.linear.gather [spmem:s6], $0x2000, $0x38;
	[tilespmem:$0x1F000] =	vst v63  }
0xf2: {  	s2 =	sadd.s32 $0x1, s2;
	_ =	swait.ge [sflag:s17], $0x2000  }
0xf3: {  	p2 =	sne.s32 s2, s15;
	[sflag:s17] =	ssyncset.done $0x0  }
.Ltmp1:
0xf4: {  	[sflag:s17] =	ssyncadd.s32 $0xFFFFE000;
	(pc) =	sbr.rel @p2 .LBB2_1-.Ltmp1, $4  }
0xf5: {  	[hbm4b:s16+s3] =	stream.linear.scatter [tilespmem:s20], [sflag:$0x3], $0x2000, $0x38;
	[tilespmem:$0x1F000] =	vst v63  }
0xf6: {  	_ =	swait.ge [sflag:s17], $0x2000  }
0xf7: {  	[sflag:s17] =	ssyncset.done $0x0  }
0xf8: {  	[sflag:s17] =	ssyncadd.s32 $0xFFFFE000  }
0xf9: {  	_ =	sfence.sel $0x180000  }
0xfa: {  	[bflag:$0x0] =	sbarrier.arrive $0xFFFF  }
0xfb: {  	_ =	strace $0x9000004A  }
0xfc: {  	s0 =	stileid.u32;
	[bflag:$0x2] =	sbarrier.arrive $0xFFFF  }
0xfd: {  	p0 =	sne.s32 s0, $0x0;
	s0 =	rddreg [dreg:$0x3]  }
0xfe: {  	s0 =	sadd.s32 @!p0 $0x100000, s0  }
0xff: {  	[sflag:s0] =	ssyncadd.tile.s32 @!p0 $0x1;
	_ =	shalt  }
.Lfunc_end2:
_tile_overlayer_lowered:
.L_overlay_start_2:
0x100: {  	(tag) =	ssettag $0x2  }
0x101: {  	s0 =	rddreg [dreg:$0x0];
	s2 =	stileid.u32  }
0x102: {  	s1 =	rddreg [dreg:$0x1];
	p0 =	sne.s32 s2, $0x0  }
0x103: {  	s3 =	rddreg [dreg:$0x2];
	[bflag:$0x3] =	sbarrier.arrive $0xFFFF;
	s2 =	simm.s32 @!p0 $0x1C03  }
0x104: {  	[timem:s3], [sflag:s2] =	dma.local @!p0 [hbm:s0], s1  }
0x105: {  	s0 =	simm.s32 @!p0 $0x3  }
0x106: {  	_ =	swait.ge @!p0 [sflag:s0], s1  }
0x107: {  	s1 =	ssub.s32 @!p0 $0x0, s1;
	[sflag:s0] =	ssyncset.done @!p0 $0x0  }
0x108: {  	[sflag:s0] =	ssyncadd.s32 @!p0 s1  }
0x109: {  	[bflag:$0x3] =	sbarrier.arrive $0xFFFF  }
0x10a: {  	_ =	shalt  }

</sc_bundles>
